<compile_context>
chip_gen: v7x
topology: tpu7x:2x2x1
jax: 0.10.2.dev20260603
libtpu: 0.0.44.dev20260713+nightly
codegen_flags: <defaults>
</compile_context>

<pallas_src>
import functools

import jax
import jax.numpy as jnp
from jax import lax
from jax.experimental import pallas as pl
from jax.experimental.pallas import tpu as pltpu
from jax.experimental.pallas import tpu_sc as plsc

NUM_NODES = 1000000
MEMORY_DIM = 64
BATCH = 16384

_LOOK = 9
_RING = 10
_WCHUNK = 128


def _make_gather():
    info = plsc.get_sparse_core_info()
    nc, ns = info.num_cores, info.num_subcores
    nw = nc * ns
    b_per_w = BATCH // nw
    mesh = plsc.VectorSubcoreMesh(core_axis_name="c", subcore_axis_name="s")

    @functools.partial(
        pl.kernel,
        mesh=mesh,
        out_type=jax.ShapeDtypeStruct((MEMORY_DIM, BATCH), jnp.float32),
        scratch_types=[
            pltpu.VMEM((b_per_w,), jnp.int32),
            pltpu.VMEM((_RING, MEMORY_DIM, 128), jnp.float32),
            pltpu.VMEM((MEMORY_DIM, 2 * _WCHUNK), jnp.float32),
            pltpu.SemaphoreType.DMA((_RING,)),
        ],
        compiler_params=pltpu.CompilerParams(needs_layout_passes=False),
    )
    def gather_kernel(table_hbm, ids_hbm, out_hbm, idx_v, bufs, comp, sems):
        wid = lax.axis_index("s") * nc + lax.axis_index("c")
        base = wid * b_per_w
        pltpu.sync_copy(ids_hbm.at[pl.ds(base, b_per_w)], idx_v)

        iota = lax.iota(jnp.int32, 16)
        zeros16 = jnp.zeros((16,), jnp.int32)
        kvecs = [iota + 16 * g for g in range(MEMORY_DIM // 16)]

        def id_scalar(f):
            w16 = idx_v[pl.ds(f & ~15, 16)]
            return jnp.sum(jnp.where(iota == (f & 15), w16, 0))

        def fire(f):
            j = id_scalar(f)
            off = pl.multiple_of((j >> 7) * 128, 128)
            pltpu.async_copy(
                table_hbm.at[:, :, pl.ds(off, 128)],
                bufs.at[pl.ds(f % _RING, 1)],
                sems.at[f % _RING],
            )

        def wait_slot(i):
            pltpu.make_async_copy(
                table_hbm.at[:, :, pl.ds(0, 128)],
                bufs.at[pl.ds(i % _RING, 1)],
                sems.at[i % _RING],
            ).wait()

        for f in range(_LOOK):
            fire(f)

        def body(i, carry):
            @pl.when(i + _LOOK < b_per_w)
            def _():
                fire(i + _LOOK)

            wait_slot(i)
            j = id_scalar(i)
            c_splat = zeros16 + (j & 127)
            slot_splat = zeros16 + (i % _RING)
            col_splat = zeros16 + (i % (2 * _WCHUNK))
            for kv in kvecs:
                val = plsc.load_gather(bufs, [slot_splat, kv, c_splat])
                plsc.store_scatter(comp, [kv, col_splat], val)

            @pl.when((i % _WCHUNK) == (_WCHUNK - 1))
            def _():
                start = pl.multiple_of(i & _WCHUNK, _WCHUNK)
                dst = pl.multiple_of(base + (i - (_WCHUNK - 1)), _WCHUNK)
                pltpu.sync_copy(
                    comp.at[:, pl.ds(start, _WCHUNK)],
                    out_hbm.at[:, pl.ds(dst, _WCHUNK)],
                )

            return carry

        lax.fori_loop(0, b_per_w, body, 0)

    return gather_kernel, nw


def kernel(node_ids, memory):
    gather_kernel, nw = _make_gather()
    table3 = memory.T.reshape(1, MEMORY_DIM, NUM_NODES)
    return gather_kernel(table3, node_ids).T

# --- scband reference (transcript-rebuilt; emitter-appended) ---
"""Pipeline reference for scband-tgnmemory-49134425866258 (READ-ONLY COPY).

The authoritative reference and input builder live on the scoring server;
editing this copy changes nothing except your own understanding.
"""

import jax, jax.numpy as jnp
import numpy as np

NUM_NODES = 1000000
MEMORY_DIM = 64
BATCH = 16384


def setup_inputs(seed: int = 0) -> dict:
    key = jax.random.key(seed)
    k1, k2 = jax.random.split(key)
    node_ids = jax.random.randint(k1, (BATCH,), 0, NUM_NODES, dtype=jnp.int64 if jax.config.jax_enable_x64 else jnp.int32).astype(jnp.int32)
    # Persistent per-node memory buffer (registered buffer in the torch module).
    # Use random values instead of zeros so the gather is observable.
    memory = jax.random.normal(k2, (NUM_NODES, MEMORY_DIM), dtype=jnp.float32)
    return {"node_ids": node_ids, "memory": memory}


def reference(node_ids, memory):
    # TGNMemory.forward -> get_memory: pure row gather from the memory table.
    return jnp.take(memory, node_ids, axis=0)

if __name__ == "__main__":
    import jax
    _d = setup_inputs()
    print(jax.jit(kernel)(*tuple(_d.values())))

</pallas_src>

<mosaic_0001>
#map = affine_map<(d0, d1) -> (0, 0, 0)>
#map1 = affine_map<(d0, d1) -> (0)>
#map2 = affine_map<(d0, d1) -> (0, 0)>
module attributes {stable_mosaic.version = 14 : i64} {
  func.func @gather_kernel(%arg0: i32, %arg1: i32, %arg2: memref<1x64x1000000xf32, #tpu.memory_space<hbm>>, %arg3: memref<16384xi32, #tpu.memory_space<hbm>>, %arg4: memref<64x16384xf32, #tpu.memory_space<hbm>>, %arg5: memref<512xi32, #tpu.memory_space<vmem>>, %arg6: memref<10x64x128xf32, #tpu.memory_space<vmem>>, %arg7: memref<64x256xf32, #tpu.memory_space<vmem>>, %arg8: memref<10x!tpu.dma_semaphore, #tpu.memory_space<semaphore_mem>>) attributes {dimension_semantics = [#tpu.dimension_semantics<core_parallel>, #tpu.dimension_semantics<subcore_parallel>], iteration_bounds = array<i64: 2, 16>, scalar_prefetch = 0 : i64, scratch_operands = 4 : i64, tpu.core_type = #tpu.core_type<sc_vector_subcore>, window_params = [{transform_indices = #map}, {transform_indices = #map1}, {transform_indices = #map2}]} {
    %mul3A = arith.constant 2 : i32
    %mul3A_0 = arith.muli %arg1, %mul3A : i32
    %add3A = arith.addi %mul3A_0, %arg0 : i32
    %mul3A_1 = arith.constant 512 : i32
    %mul3A_2 = arith.muli %add3A, %mul3A_1 : i32
    "tpu.region"() ({
      %run_scoped3A = tpu.sem_alloc : memref<!tpu.dma_semaphore, #tpu.memory_space<semaphore_mem>>
      %dma_start3A_319 = tpu.memref_slice %arg3[%mul3A_2] : memref<16384xi32, #tpu.memory_space<hbm>> -> memref<512xi32, #tpu.memory_space<hbm>>
      %dma_start3A_320 = tpu.memref_slice %arg3[%mul3A_2] : memref<16384xi32, #tpu.memory_space<hbm>> -> memref<512xi32, #tpu.memory_space<hbm>>
      tpu.enqueue_dma source(%dma_start3A_320 : memref<512xi32, #tpu.memory_space<hbm>>) target(%arg5 : memref<512xi32, #tpu.memory_space<vmem>>) target_semaphore(%run_scoped3A : memref<!tpu.dma_semaphore, #tpu.memory_space<semaphore_mem>>)
      %dma_wait3A = tpu.memref_slice %arg3[%mul3A_2] : memref<16384xi32, #tpu.memory_space<hbm>> -> memref<512xi32, #tpu.memory_space<hbm>>
      %dma_wait3A_321 = tpu.memref_slice %arg3[%mul3A_2] : memref<16384xi32, #tpu.memory_space<hbm>> -> memref<512xi32, #tpu.memory_space<hbm>>
      tpu.wait_dma2 semaphore(%run_scoped3A : memref<!tpu.dma_semaphore, #tpu.memory_space<semaphore_mem>>) src(%dma_wait3A_321 : memref<512xi32, #tpu.memory_space<hbm>>) dst(%arg5 : memref<512xi32, #tpu.memory_space<vmem>>)
      tpu.yield
    }) : () -> ()
    %iota3A = tpu.iota {dimensions = array<i32: 0>} : vector<16xi32>
    %broadcast_in_dim3A = arith.constant 0 : i32
    %broadcast_in_dim3A_3 = vector.broadcast %broadcast_in_dim3A : i32 to vector<16xi32>
    %add3A_4 = arith.constant 0 : i32
    %add3A_5 = vector.broadcast %add3A_4 : i32 to vector<16xi32>
    %add3A_6 = arith.addi %iota3A, %add3A_5 : vector<16xi32>
    %add3A_7 = arith.constant 16 : i32
    %add3A_8 = vector.broadcast %add3A_7 : i32 to vector<16xi32>
    %add3A_9 = arith.addi %iota3A, %add3A_8 : vector<16xi32>
    %add3A_10 = arith.constant 32 : i32
    %add3A_11 = vector.broadcast %add3A_10 : i32 to vector<16xi32>
    %add3A_12 = arith.addi %iota3A, %add3A_11 : vector<16xi32>
    %add3A_13 = arith.constant 48 : i32
    %add3A_14 = vector.broadcast %add3A_13 : i32 to vector<16xi32>
    %add3A_15 = arith.addi %iota3A, %add3A_14 : vector<16xi32>
    %get3A = arith.constant 0 : index
    %get3A_16 = tpu.vector_load %arg5[%get3A] {strides = array<i32>} : memref<512xi32, #tpu.memory_space<vmem>>, vector<16xi32>,
    %eq3A = arith.constant 0 : i32
    %eq3A_17 = vector.broadcast %eq3A : i32 to vector<16xi32>
    %eq3A_18 = arith.cmpi eq, %iota3A, %eq3A_17 : vector<16xi32>
    %jit3A = arith.constant 0 : i32
    %broadcast_in_dim3A_19 = vector.broadcast %jit3A : i32 to vector<16xi32>
    %select_n3A = arith.select %eq3A_18, %get3A_16, %broadcast_in_dim3A_19 : vector<16xi1>, vector<16xi32>
    %reduce_sum3A = arith.constant true
    %reduce_sum3A_20 = vector.broadcast %reduce_sum3A : i1 to vector<16xi1>
    %reduce_sum3A_21 = tpu.scan <sum>, %select_n3A masked %reduce_sum3A_20 : vector<16xi32>, vector<16xi1> -> vector<16xi32>
    %reduce_sum3A_22 = vector.extract %reduce_sum3A_21[15] : i32 from vector<16xi32>
    %shift_right_arithmetic3A = arith.constant 7 : i32
    %shift_right_arithmetic3A_23 = arith.shrsi %reduce_sum3A_22, %shift_right_arithmetic3A : i32
    %mul3A_24 = arith.constant 128 : i32
    %mul3A_25 = arith.muli %shift_right_arithmetic3A_23, %mul3A_24 : i32
    %multiple_of3A = tpu.assume_multiple %mul3A_25, 128 : i32
    %dma_start3A = arith.constant 0 : i32
    %dma_start3A_26 = arith.constant 0 : i32
    %dma_start3A_27 = arith.constant 0 : i32
    %dma_start3A_28 = arith.constant 0 : i32
    %dma_start3A_29 = tpu.memref_slice %arg6[%dma_start3A_26, %dma_start3A_27, %dma_start3A_28] : memref<10x64x128xf32, #tpu.memory_space<vmem>> -> memref<1x64x128xf32, #tpu.memory_space<vmem>>
    %dma_start3A_30 = arith.constant 0 : i32
    %dma_start3A_31 = arith.constant 0 : i32
    %dma_start3A_32 = tpu.memref_slice %arg2[%dma_start3A_30, %dma_start3A_31, %multiple_of3A] : memref<1x64x1000000xf32, #tpu.memory_space<hbm>> -> memref<1x64x128xf32, #tpu.memory_space<hbm>>
    %dma_start3A_33 = tpu.memref_slice %arg8[%dma_start3A] : memref<10x!tpu.dma_semaphore, #tpu.memory_space<semaphore_mem>> -> memref<1x!tpu.dma_semaphore, #tpu.memory_space<semaphore_mem>>
    %dma_start3A_34 = tpu.memref_squeeze %dma_start3A_33 : memref<1x!tpu.dma_semaphore, #tpu.memory_space<semaphore_mem>> -> memref<!tpu.dma_semaphore, #tpu.memory_space<semaphore_mem>>
    %dma_start3A_35 = arith.constant 0 : i32
    %dma_start3A_36 = arith.constant 0 : i32
    %dma_start3A_37 = arith.constant 0 : i32
    %dma_start3A_38 = tpu.memref_slice %arg6[%dma_start3A_35, %dma_start3A_36, %dma_start3A_37] : memref<10x64x128xf32, #tpu.memory_space<vmem>> -> memref<1x64x128xf32, #tpu.memory_space<vmem>>
    %dma_start3A_39 = arith.constant 0 : i32
    %dma_start3A_40 = arith.constant 0 : i32
    %dma_start3A_41 = tpu.memref_slice %arg2[%dma_start3A_39, %dma_start3A_40, %multiple_of3A] : memref<1x64x1000000xf32, #tpu.memory_space<hbm>> -> memref<1x64x128xf32, #tpu.memory_space<hbm>>
    tpu.enqueue_dma source(%dma_start3A_41 : memref<1x64x128xf32, #tpu.memory_space<hbm>>) target(%dma_start3A_38 : memref<1x64x128xf32, #tpu.memory_space<vmem>>) target_semaphore(%dma_start3A_34 : memref<!tpu.dma_semaphore, #tpu.memory_space<semaphore_mem>>)
    %get3A_42 = arith.constant 0 : index
    %get3A_43 = tpu.vector_load %arg5[%get3A_42] {strides = array<i32>} : memref<512xi32, #tpu.memory_space<vmem>>, vector<16xi32>,
    %eq3A_44 = arith.constant 1 : i32
    %eq3A_45 = vector.broadcast %eq3A_44 : i32 to vector<16xi32>
    %eq3A_46 = arith.cmpi eq, %iota3A, %eq3A_45 : vector<16xi32>
    %jit3A_47 = arith.constant 0 : i32
    %broadcast_in_dim3A_48 = vector.broadcast %jit3A_47 : i32 to vector<16xi32>
    %select_n3A_49 = arith.select %eq3A_46, %get3A_43, %broadcast_in_dim3A_48 : vector<16xi1>, vector<16xi32>
    %reduce_sum3A_50 = arith.constant true
    %reduce_sum3A_51 = vector.broadcast %reduce_sum3A_50 : i1 to vector<16xi1>
    %reduce_sum3A_52 = tpu.scan <sum>, %select_n3A_49 masked %reduce_sum3A_51 : vector<16xi32>, vector<16xi1> -> vector<16xi32>
    %reduce_sum3A_53 = vector.extract %reduce_sum3A_52[15] : i32 from vector<16xi32>
    %shift_right_arithmetic3A_54 = arith.constant 7 : i32
    %shift_right_arithmetic3A_55 = arith.shrsi %reduce_sum3A_53, %shift_right_arithmetic3A_54 : i32
    %mul3A_56 = arith.constant 128 : i32
    %mul3A_57 = arith.muli %shift_right_arithmetic3A_55, %mul3A_56 : i32
    %multiple_of3A_58 = tpu.assume_multiple %mul3A_57, 128 : i32
    %dma_start3A_59 = arith.constant 1 : i32
    %dma_start3A_60 = arith.constant 1 : i32
    %dma_start3A_61 = arith.constant 0 : i32
    %dma_start3A_62 = arith.constant 0 : i32
    %dma_start3A_63 = tpu.memref_slice %arg6[%dma_start3A_60, %dma_start3A_61, %dma_start3A_62] : memref<10x64x128xf32, #tpu.memory_space<vmem>> -> memref<1x64x128xf32, #tpu.memory_space<vmem>>
    %dma_start3A_64 = arith.constant 0 : i32
    %dma_start3A_65 = arith.constant 0 : i32
    %dma_start3A_66 = tpu.memref_slice %arg2[%dma_start3A_64, %dma_start3A_65, %multiple_of3A_58] : memref<1x64x1000000xf32, #tpu.memory_space<hbm>> -> memref<1x64x128xf32, #tpu.memory_space<hbm>>
    %dma_start3A_67 = tpu.memref_slice %arg8[%dma_start3A_59] : memref<10x!tpu.dma_semaphore, #tpu.memory_space<semaphore_mem>> -> memref<1x!tpu.dma_semaphore, #tpu.memory_space<semaphore_mem>>
    %dma_start3A_68 = tpu.memref_squeeze %dma_start3A_67 : memref<1x!tpu.dma_semaphore, #tpu.memory_space<semaphore_mem>> -> memref<!tpu.dma_semaphore, #tpu.memory_space<semaphore_mem>>
    %dma_start3A_69 = arith.constant 1 : i32
    %dma_start3A_70 = arith.constant 0 : i32
    %dma_start3A_71 = arith.constant 0 : i32
    %dma_start3A_72 = tpu.memref_slice %arg6[%dma_start3A_69, %dma_start3A_70, %dma_start3A_71] : memref<10x64x128xf32, #tpu.memory_space<vmem>> -> memref<1x64x128xf32, #tpu.memory_space<vmem>>
    %dma_start3A_73 = arith.constant 0 : i32
    %dma_start3A_74 = arith.constant 0 : i32
    %dma_start3A_75 = tpu.memref_slice %arg2[%dma_start3A_73, %dma_start3A_74, %multiple_of3A_58] : memref<1x64x1000000xf32, #tpu.memory_space<hbm>> -> memref<1x64x128xf32, #tpu.memory_space<hbm>>
    tpu.enqueue_dma source(%dma_start3A_75 : memref<1x64x128xf32, #tpu.memory_space<hbm>>) target(%dma_start3A_72 : memref<1x64x128xf32, #tpu.memory_space<vmem>>) target_semaphore(%dma_start3A_68 : memref<!tpu.dma_semaphore, #tpu.memory_space<semaphore_mem>>)
    %get3A_76 = arith.constant 0 : index
    %get3A_77 = tpu.vector_load %arg5[%get3A_76] {strides = array<i32>} : memref<512xi32, #tpu.memory_space<vmem>>, vector<16xi32>,
    %eq3A_78 = arith.constant 2 : i32
    %eq3A_79 = vector.broadcast %eq3A_78 : i32 to vector<16xi32>
    %eq3A_80 = arith.cmpi eq, %iota3A, %eq3A_79 : vector<16xi32>
    %jit3A_81 = arith.constant 0 : i32
    %broadcast_in_dim3A_82 = vector.broadcast %jit3A_81 : i32 to vector<16xi32>
    %select_n3A_83 = arith.select %eq3A_80, %get3A_77, %broadcast_in_dim3A_82 : vector<16xi1>, vector<16xi32>
    %reduce_sum3A_84 = arith.constant true
    %reduce_sum3A_85 = vector.broadcast %reduce_sum3A_84 : i1 to vector<16xi1>
    %reduce_sum3A_86 = tpu.scan <sum>, %select_n3A_83 masked %reduce_sum3A_85 : vector<16xi32>, vector<16xi1> -> vector<16xi32>
    %reduce_sum3A_87 = vector.extract %reduce_sum3A_86[15] : i32 from vector<16xi32>
    %shift_right_arithmetic3A_88 = arith.constant 7 : i32
    %shift_right_arithmetic3A_89 = arith.shrsi %reduce_sum3A_87, %shift_right_arithmetic3A_88 : i32
    %mul3A_90 = arith.constant 128 : i32
    %mul3A_91 = arith.muli %shift_right_arithmetic3A_89, %mul3A_90 : i32
    %multiple_of3A_92 = tpu.assume_multiple %mul3A_91, 128 : i32
    %dma_start3A_93 = arith.constant 2 : i32
    %dma_start3A_94 = arith.constant 2 : i32
    %dma_start3A_95 = arith.constant 0 : i32
    %dma_start3A_96 = arith.constant 0 : i32
    %dma_start3A_97 = tpu.memref_slice %arg6[%dma_start3A_94, %dma_start3A_95, %dma_start3A_96] : memref<10x64x128xf32, #tpu.memory_space<vmem>> -> memref<1x64x128xf32, #tpu.memory_space<vmem>>
    %dma_start3A_98 = arith.constant 0 : i32
    %dma_start3A_99 = arith.constant 0 : i32
    %dma_start3A_100 = tpu.memref_slice %arg2[%dma_start3A_98, %dma_start3A_99, %multiple_of3A_92] : memref<1x64x1000000xf32, #tpu.memory_space<hbm>> -> memref<1x64x128xf32, #tpu.memory_space<hbm>>
    %dma_start3A_101 = tpu.memref_slice %arg8[%dma_start3A_93] : memref<10x!tpu.dma_semaphore, #tpu.memory_space<semaphore_mem>> -> memref<1x!tpu.dma_semaphore, #tpu.memory_space<semaphore_mem>>
    %dma_start3A_102 = tpu.memref_squeeze %dma_start3A_101 : memref<1x!tpu.dma_semaphore, #tpu.memory_space<semaphore_mem>> -> memref<!tpu.dma_semaphore, #tpu.memory_space<semaphore_mem>>
    %dma_start3A_103 = arith.constant 2 : i32
    %dma_start3A_104 = arith.constant 0 : i32
    %dma_start3A_105 = arith.constant 0 : i32
    %dma_start3A_106 = tpu.memref_slice %arg6[%dma_start3A_103, %dma_start3A_104, %dma_start3A_105] : memref<10x64x128xf32, #tpu.memory_space<vmem>> -> memref<1x64x128xf32, #tpu.memory_space<vmem>>
    %dma_start3A_107 = arith.constant 0 : i32
    %dma_start3A_108 = arith.constant 0 : i32
    %dma_start3A_109 = tpu.memref_slice %arg2[%dma_start3A_107, %dma_start3A_108, %multiple_of3A_92] : memref<1x64x1000000xf32, #tpu.memory_space<hbm>> -> memref<1x64x128xf32, #tpu.memory_space<hbm>>
    tpu.enqueue_dma source(%dma_start3A_109 : memref<1x64x128xf32, #tpu.memory_space<hbm>>) target(%dma_start3A_106 : memref<1x64x128xf32, #tpu.memory_space<vmem>>) target_semaphore(%dma_start3A_102 : memref<!tpu.dma_semaphore, #tpu.memory_space<semaphore_mem>>)
    %get3A_110 = arith.constant 0 : index
    %get3A_111 = tpu.vector_load %arg5[%get3A_110] {strides = array<i32>} : memref<512xi32, #tpu.memory_space<vmem>>, vector<16xi32>,
    %eq3A_112 = arith.constant 3 : i32
    %eq3A_113 = vector.broadcast %eq3A_112 : i32 to vector<16xi32>
    %eq3A_114 = arith.cmpi eq, %iota3A, %eq3A_113 : vector<16xi32>
    %jit3A_115 = arith.constant 0 : i32
    %broadcast_in_dim3A_116 = vector.broadcast %jit3A_115 : i32 to vector<16xi32>
    %select_n3A_117 = arith.select %eq3A_114, %get3A_111, %broadcast_in_dim3A_116 : vector<16xi1>, vector<16xi32>
    %reduce_sum3A_118 = arith.constant true
    %reduce_sum3A_119 = vector.broadcast %reduce_sum3A_118 : i1 to vector<16xi1>
    %reduce_sum3A_120 = tpu.scan <sum>, %select_n3A_117 masked %reduce_sum3A_119 : vector<16xi32>, vector<16xi1> -> vector<16xi32>
    %reduce_sum3A_121 = vector.extract %reduce_sum3A_120[15] : i32 from vector<16xi32>
    %shift_right_arithmetic3A_122 = arith.constant 7 : i32
    %shift_right_arithmetic3A_123 = arith.shrsi %reduce_sum3A_121, %shift_right_arithmetic3A_122 : i32
    %mul3A_124 = arith.constant 128 : i32
    %mul3A_125 = arith.muli %shift_right_arithmetic3A_123, %mul3A_124 : i32
    %multiple_of3A_126 = tpu.assume_multiple %mul3A_125, 128 : i32
    %dma_start3A_127 = arith.constant 3 : i32
    %dma_start3A_128 = arith.constant 3 : i32
    %dma_start3A_129 = arith.constant 0 : i32
    %dma_start3A_130 = arith.constant 0 : i32
    %dma_start3A_131 = tpu.memref_slice %arg6[%dma_start3A_128, %dma_start3A_129, %dma_start3A_130] : memref<10x64x128xf32, #tpu.memory_space<vmem>> -> memref<1x64x128xf32, #tpu.memory_space<vmem>>
    %dma_start3A_132 = arith.constant 0 : i32
    %dma_start3A_133 = arith.constant 0 : i32
    %dma_start3A_134 = tpu.memref_slice %arg2[%dma_start3A_132, %dma_start3A_133, %multiple_of3A_126] : memref<1x64x1000000xf32, #tpu.memory_space<hbm>> -> memref<1x64x128xf32, #tpu.memory_space<hbm>>
    %dma_start3A_135 = tpu.memref_slice %arg8[%dma_start3A_127] : memref<10x!tpu.dma_semaphore, #tpu.memory_space<semaphore_mem>> -> memref<1x!tpu.dma_semaphore, #tpu.memory_space<semaphore_mem>>
    %dma_start3A_136 = tpu.memref_squeeze %dma_start3A_135 : memref<1x!tpu.dma_semaphore, #tpu.memory_space<semaphore_mem>> -> memref<!tpu.dma_semaphore, #tpu.memory_space<semaphore_mem>>
    %dma_start3A_137 = arith.constant 3 : i32
    %dma_start3A_138 = arith.constant 0 : i32
    %dma_start3A_139 = arith.constant 0 : i32
    %dma_start3A_140 = tpu.memref_slice %arg6[%dma_start3A_137, %dma_start3A_138, %dma_start3A_139] : memref<10x64x128xf32, #tpu.memory_space<vmem>> -> memref<1x64x128xf32, #tpu.memory_space<vmem>>
    %dma_start3A_141 = arith.constant 0 : i32
    %dma_start3A_142 = arith.constant 0 : i32
    %dma_start3A_143 = tpu.memref_slice %arg2[%dma_start3A_141, %dma_start3A_142, %multiple_of3A_126] : memref<1x64x1000000xf32, #tpu.memory_space<hbm>> -> memref<1x64x128xf32, #tpu.memory_space<hbm>>
    tpu.enqueue_dma source(%dma_start3A_143 : memref<1x64x128xf32, #tpu.memory_space<hbm>>) target(%dma_start3A_140 : memref<1x64x128xf32, #tpu.memory_space<vmem>>) target_semaphore(%dma_start3A_136 : memref<!tpu.dma_semaphore, #tpu.memory_space<semaphore_mem>>)
    %get3A_144 = arith.constant 0 : index
    %get3A_145 = tpu.vector_load %arg5[%get3A_144] {strides = array<i32>} : memref<512xi32, #tpu.memory_space<vmem>>, vector<16xi32>,
    %eq3A_146 = arith.constant 4 : i32
    %eq3A_147 = vector.broadcast %eq3A_146 : i32 to vector<16xi32>
    %eq3A_148 = arith.cmpi eq, %iota3A, %eq3A_147 : vector<16xi32>
    %jit3A_149 = arith.constant 0 : i32
    %broadcast_in_dim3A_150 = vector.broadcast %jit3A_149 : i32 to vector<16xi32>
    %select_n3A_151 = arith.select %eq3A_148, %get3A_145, %broadcast_in_dim3A_150 : vector<16xi1>, vector<16xi32>
    %reduce_sum3A_152 = arith.constant true
    %reduce_sum3A_153 = vector.broadcast %reduce_sum3A_152 : i1 to vector<16xi1>
    %reduce_sum3A_154 = tpu.scan <sum>, %select_n3A_151 masked %reduce_sum3A_153 : vector<16xi32>, vector<16xi1> -> vector<16xi32>
    %reduce_sum3A_155 = vector.extract %reduce_sum3A_154[15] : i32 from vector<16xi32>
    %shift_right_arithmetic3A_156 = arith.constant 7 : i32
    %shift_right_arithmetic3A_157 = arith.shrsi %reduce_sum3A_155, %shift_right_arithmetic3A_156 : i32
    %mul3A_158 = arith.constant 128 : i32
    %mul3A_159 = arith.muli %shift_right_arithmetic3A_157, %mul3A_158 : i32
    %multiple_of3A_160 = tpu.assume_multiple %mul3A_159, 128 : i32
    %dma_start3A_161 = arith.constant 4 : i32
    %dma_start3A_162 = arith.constant 4 : i32
    %dma_start3A_163 = arith.constant 0 : i32
    %dma_start3A_164 = arith.constant 0 : i32
    %dma_start3A_165 = tpu.memref_slice %arg6[%dma_start3A_162, %dma_start3A_163, %dma_start3A_164] : memref<10x64x128xf32, #tpu.memory_space<vmem>> -> memref<1x64x128xf32, #tpu.memory_space<vmem>>
    %dma_start3A_166 = arith.constant 0 : i32
    %dma_start3A_167 = arith.constant 0 : i32
    %dma_start3A_168 = tpu.memref_slice %arg2[%dma_start3A_166, %dma_start3A_167, %multiple_of3A_160] : memref<1x64x1000000xf32, #tpu.memory_space<hbm>> -> memref<1x64x128xf32, #tpu.memory_space<hbm>>
    %dma_start3A_169 = tpu.memref_slice %arg8[%dma_start3A_161] : memref<10x!tpu.dma_semaphore, #tpu.memory_space<semaphore_mem>> -> memref<1x!tpu.dma_semaphore, #tpu.memory_space<semaphore_mem>>
    %dma_start3A_170 = tpu.memref_squeeze %dma_start3A_169 : memref<1x!tpu.dma_semaphore, #tpu.memory_space<semaphore_mem>> -> memref<!tpu.dma_semaphore, #tpu.memory_space<semaphore_mem>>
    %dma_start3A_171 = arith.constant 4 : i32
    %dma_start3A_172 = arith.constant 0 : i32
    %dma_start3A_173 = arith.constant 0 : i32
    %dma_start3A_174 = tpu.memref_slice %arg6[%dma_start3A_171, %dma_start3A_172, %dma_start3A_173] : memref<10x64x128xf32, #tpu.memory_space<vmem>> -> memref<1x64x128xf32, #tpu.memory_space<vmem>>
    %dma_start3A_175 = arith.constant 0 : i32
    %dma_start3A_176 = arith.constant 0 : i32
    %dma_start3A_177 = tpu.memref_slice %arg2[%dma_start3A_175, %dma_start3A_176, %multiple_of3A_160] : memref<1x64x1000000xf32, #tpu.memory_space<hbm>> -> memref<1x64x128xf32, #tpu.memory_space<hbm>>
    tpu.enqueue_dma source(%dma_start3A_177 : memref<1x64x128xf32, #tpu.memory_space<hbm>>) target(%dma_start3A_174 : memref<1x64x128xf32, #tpu.memory_space<vmem>>) target_semaphore(%dma_start3A_170 : memref<!tpu.dma_semaphore, #tpu.memory_space<semaphore_mem>>)
    %get3A_178 = arith.constant 0 : index
    %get3A_179 = tpu.vector_load %arg5[%get3A_178] {strides = array<i32>} : memref<512xi32, #tpu.memory_space<vmem>>, vector<16xi32>,
    %eq3A_180 = arith.constant 5 : i32
    %eq3A_181 = vector.broadcast %eq3A_180 : i32 to vector<16xi32>
    %eq3A_182 = arith.cmpi eq, %iota3A, %eq3A_181 : vector<16xi32>
    %jit3A_183 = arith.constant 0 : i32
    %broadcast_in_dim3A_184 = vector.broadcast %jit3A_183 : i32 to vector<16xi32>
    %select_n3A_185 = arith.select %eq3A_182, %get3A_179, %broadcast_in_dim3A_184 : vector<16xi1>, vector<16xi32>
    %reduce_sum3A_186 = arith.constant true
    %reduce_sum3A_187 = vector.broadcast %reduce_sum3A_186 : i1 to vector<16xi1>
    %reduce_sum3A_188 = tpu.scan <sum>, %select_n3A_185 masked %reduce_sum3A_187 : vector<16xi32>, vector<16xi1> -> vector<16xi32>
    %reduce_sum3A_189 = vector.extract %reduce_sum3A_188[15] : i32 from vector<16xi32>
    %shift_right_arithmetic3A_190 = arith.constant 7 : i32
    %shift_right_arithmetic3A_191 = arith.shrsi %reduce_sum3A_189, %shift_right_arithmetic3A_190 : i32
    %mul3A_192 = arith.constant 128 : i32
    %mul3A_193 = arith.muli %shift_right_arithmetic3A_191, %mul3A_192 : i32
    %multiple_of3A_194 = tpu.assume_multiple %mul3A_193, 128 : i32
    %dma_start3A_195 = arith.constant 5 : i32
    %dma_start3A_196 = arith.constant 5 : i32
    %dma_start3A_197 = arith.constant 0 : i32
    %dma_start3A_198 = arith.constant 0 : i32
    %dma_start3A_199 = tpu.memref_slice %arg6[%dma_start3A_196, %dma_start3A_197, %dma_start3A_198] : memref<10x64x128xf32, #tpu.memory_space<vmem>> -> memref<1x64x128xf32, #tpu.memory_space<vmem>>
    %dma_start3A_200 = arith.constant 0 : i32
    %dma_start3A_201 = arith.constant 0 : i32
    %dma_start3A_202 = tpu.memref_slice %arg2[%dma_start3A_200, %dma_start3A_201, %multiple_of3A_194] : memref<1x64x1000000xf32, #tpu.memory_space<hbm>> -> memref<1x64x128xf32, #tpu.memory_space<hbm>>
    %dma_start3A_203 = tpu.memref_slice %arg8[%dma_start3A_195] : memref<10x!tpu.dma_semaphore, #tpu.memory_space<semaphore_mem>> -> memref<1x!tpu.dma_semaphore, #tpu.memory_space<semaphore_mem>>
    %dma_start3A_204 = tpu.memref_squeeze %dma_start3A_203 : memref<1x!tpu.dma_semaphore, #tpu.memory_space<semaphore_mem>> -> memref<!tpu.dma_semaphore, #tpu.memory_space<semaphore_mem>>
    %dma_start3A_205 = arith.constant 5 : i32
    %dma_start3A_206 = arith.constant 0 : i32
    %dma_start3A_207 = arith.constant 0 : i32
    %dma_start3A_208 = tpu.memref_slice %arg6[%dma_start3A_205, %dma_start3A_206, %dma_start3A_207] : memref<10x64x128xf32, #tpu.memory_space<vmem>> -> memref<1x64x128xf32, #tpu.memory_space<vmem>>
    %dma_start3A_209 = arith.constant 0 : i32
    %dma_start3A_210 = arith.constant 0 : i32
    %dma_start3A_211 = tpu.memref_slice %arg2[%dma_start3A_209, %dma_start3A_210, %multiple_of3A_194] : memref<1x64x1000000xf32, #tpu.memory_space<hbm>> -> memref<1x64x128xf32, #tpu.memory_space<hbm>>
    tpu.enqueue_dma source(%dma_start3A_211 : memref<1x64x128xf32, #tpu.memory_space<hbm>>) target(%dma_start3A_208 : memref<1x64x128xf32, #tpu.memory_space<vmem>>) target_semaphore(%dma_start3A_204 : memref<!tpu.dma_semaphore, #tpu.memory_space<semaphore_mem>>)
    %get3A_212 = arith.constant 0 : index
    %get3A_213 = tpu.vector_load %arg5[%get3A_212] {strides = array<i32>} : memref<512xi32, #tpu.memory_space<vmem>>, vector<16xi32>,
    %eq3A_214 = arith.constant 6 : i32
    %eq3A_215 = vector.broadcast %eq3A_214 : i32 to vector<16xi32>
    %eq3A_216 = arith.cmpi eq, %iota3A, %eq3A_215 : vector<16xi32>
    %jit3A_217 = arith.constant 0 : i32
    %broadcast_in_dim3A_218 = vector.broadcast %jit3A_217 : i32 to vector<16xi32>
    %select_n3A_219 = arith.select %eq3A_216, %get3A_213, %broadcast_in_dim3A_218 : vector<16xi1>, vector<16xi32>
    %reduce_sum3A_220 = arith.constant true
    %reduce_sum3A_221 = vector.broadcast %reduce_sum3A_220 : i1 to vector<16xi1>
    %reduce_sum3A_222 = tpu.scan <sum>, %select_n3A_219 masked %reduce_sum3A_221 : vector<16xi32>, vector<16xi1> -> vector<16xi32>
    %reduce_sum3A_223 = vector.extract %reduce_sum3A_222[15] : i32 from vector<16xi32>
    %shift_right_arithmetic3A_224 = arith.constant 7 : i32
    %shift_right_arithmetic3A_225 = arith.shrsi %reduce_sum3A_223, %shift_right_arithmetic3A_224 : i32
    %mul3A_226 = arith.constant 128 : i32
    %mul3A_227 = arith.muli %shift_right_arithmetic3A_225, %mul3A_226 : i32
    %multiple_of3A_228 = tpu.assume_multiple %mul3A_227, 128 : i32
    %dma_start3A_229 = arith.constant 6 : i32
    %dma_start3A_230 = arith.constant 6 : i32
    %dma_start3A_231 = arith.constant 0 : i32
    %dma_start3A_232 = arith.constant 0 : i32
    %dma_start3A_233 = tpu.memref_slice %arg6[%dma_start3A_230, %dma_start3A_231, %dma_start3A_232] : memref<10x64x128xf32, #tpu.memory_space<vmem>> -> memref<1x64x128xf32, #tpu.memory_space<vmem>>
    %dma_start3A_234 = arith.constant 0 : i32
    %dma_start3A_235 = arith.constant 0 : i32
    %dma_start3A_236 = tpu.memref_slice %arg2[%dma_start3A_234, %dma_start3A_235, %multiple_of3A_228] : memref<1x64x1000000xf32, #tpu.memory_space<hbm>> -> memref<1x64x128xf32, #tpu.memory_space<hbm>>
    %dma_start3A_237 = tpu.memref_slice %arg8[%dma_start3A_229] : memref<10x!tpu.dma_semaphore, #tpu.memory_space<semaphore_mem>> -> memref<1x!tpu.dma_semaphore, #tpu.memory_space<semaphore_mem>>
    %dma_start3A_238 = tpu.memref_squeeze %dma_start3A_237 : memref<1x!tpu.dma_semaphore, #tpu.memory_space<semaphore_mem>> -> memref<!tpu.dma_semaphore, #tpu.memory_space<semaphore_mem>>
    %dma_start3A_239 = arith.constant 6 : i32
    %dma_start3A_240 = arith.constant 0 : i32
    %dma_start3A_241 = arith.constant 0 : i32
    %dma_start3A_242 = tpu.memref_slice %arg6[%dma_start3A_239, %dma_start3A_240, %dma_start3A_241] : memref<10x64x128xf32, #tpu.memory_space<vmem>> -> memref<1x64x128xf32, #tpu.memory_space<vmem>>
    %dma_start3A_243 = arith.constant 0 : i32
    %dma_start3A_244 = arith.constant 0 : i32
    %dma_start3A_245 = tpu.memref_slice %arg2[%dma_start3A_243, %dma_start3A_244, %multiple_of3A_228] : memref<1x64x1000000xf32, #tpu.memory_space<hbm>> -> memref<1x64x128xf32, #tpu.memory_space<hbm>>
    tpu.enqueue_dma source(%dma_start3A_245 : memref<1x64x128xf32, #tpu.memory_space<hbm>>) target(%dma_start3A_242 : memref<1x64x128xf32, #tpu.memory_space<vmem>>) target_semaphore(%dma_start3A_238 : memref<!tpu.dma_semaphore, #tpu.memory_space<semaphore_mem>>)
    %get3A_246 = arith.constant 0 : index
    %get3A_247 = tpu.vector_load %arg5[%get3A_246] {strides = array<i32>} : memref<512xi32, #tpu.memory_space<vmem>>, vector<16xi32>,
    %eq3A_248 = arith.constant 7 : i32
    %eq3A_249 = vector.broadcast %eq3A_248 : i32 to vector<16xi32>
    %eq3A_250 = arith.cmpi eq, %iota3A, %eq3A_249 : vector<16xi32>
    %jit3A_251 = arith.constant 0 : i32
    %broadcast_in_dim3A_252 = vector.broadcast %jit3A_251 : i32 to vector<16xi32>
    %select_n3A_253 = arith.select %eq3A_250, %get3A_247, %broadcast_in_dim3A_252 : vector<16xi1>, vector<16xi32>
    %reduce_sum3A_254 = arith.constant true
    %reduce_sum3A_255 = vector.broadcast %reduce_sum3A_254 : i1 to vector<16xi1>
    %reduce_sum3A_256 = tpu.scan <sum>, %select_n3A_253 masked %reduce_sum3A_255 : vector<16xi32>, vector<16xi1> -> vector<16xi32>
    %reduce_sum3A_257 = vector.extract %reduce_sum3A_256[15] : i32 from vector<16xi32>
    %shift_right_arithmetic3A_258 = arith.constant 7 : i32
    %shift_right_arithmetic3A_259 = arith.shrsi %reduce_sum3A_257, %shift_right_arithmetic3A_258 : i32
    %mul3A_260 = arith.constant 128 : i32
    %mul3A_261 = arith.muli %shift_right_arithmetic3A_259, %mul3A_260 : i32
    %multiple_of3A_262 = tpu.assume_multiple %mul3A_261, 128 : i32
    %dma_start3A_263 = arith.constant 7 : i32
    %dma_start3A_264 = arith.constant 7 : i32
    %dma_start3A_265 = arith.constant 0 : i32
    %dma_start3A_266 = arith.constant 0 : i32
    %dma_start3A_267 = tpu.memref_slice %arg6[%dma_start3A_264, %dma_start3A_265, %dma_start3A_266] : memref<10x64x128xf32, #tpu.memory_space<vmem>> -> memref<1x64x128xf32, #tpu.memory_space<vmem>>
    %dma_start3A_268 = arith.constant 0 : i32
    %dma_start3A_269 = arith.constant 0 : i32
    %dma_start3A_270 = tpu.memref_slice %arg2[%dma_start3A_268, %dma_start3A_269, %multiple_of3A_262] : memref<1x64x1000000xf32, #tpu.memory_space<hbm>> -> memref<1x64x128xf32, #tpu.memory_space<hbm>>
    %dma_start3A_271 = tpu.memref_slice %arg8[%dma_start3A_263] : memref<10x!tpu.dma_semaphore, #tpu.memory_space<semaphore_mem>> -> memref<1x!tpu.dma_semaphore, #tpu.memory_space<semaphore_mem>>
    %dma_start3A_272 = tpu.memref_squeeze %dma_start3A_271 : memref<1x!tpu.dma_semaphore, #tpu.memory_space<semaphore_mem>> -> memref<!tpu.dma_semaphore, #tpu.memory_space<semaphore_mem>>
    %dma_start3A_273 = arith.constant 7 : i32
    %dma_start3A_274 = arith.constant 0 : i32
    %dma_start3A_275 = arith.constant 0 : i32
    %dma_start3A_276 = tpu.memref_slice %arg6[%dma_start3A_273, %dma_start3A_274, %dma_start3A_275] : memref<10x64x128xf32, #tpu.memory_space<vmem>> -> memref<1x64x128xf32, #tpu.memory_space<vmem>>
    %dma_start3A_277 = arith.constant 0 : i32
    %dma_start3A_278 = arith.constant 0 : i32
    %dma_start3A_279 = tpu.memref_slice %arg2[%dma_start3A_277, %dma_start3A_278, %multiple_of3A_262] : memref<1x64x1000000xf32, #tpu.memory_space<hbm>> -> memref<1x64x128xf32, #tpu.memory_space<hbm>>
    tpu.enqueue_dma source(%dma_start3A_279 : memref<1x64x128xf32, #tpu.memory_space<hbm>>) target(%dma_start3A_276 : memref<1x64x128xf32, #tpu.memory_space<vmem>>) target_semaphore(%dma_start3A_272 : memref<!tpu.dma_semaphore, #tpu.memory_space<semaphore_mem>>)
    %get3A_280 = arith.constant 0 : index
    %get3A_281 = tpu.vector_load %arg5[%get3A_280] {strides = array<i32>} : memref<512xi32, #tpu.memory_space<vmem>>, vector<16xi32>,
    %eq3A_282 = arith.constant 8 : i32
    %eq3A_283 = vector.broadcast %eq3A_282 : i32 to vector<16xi32>
    %eq3A_284 = arith.cmpi eq, %iota3A, %eq3A_283 : vector<16xi32>
    %jit3A_285 = arith.constant 0 : i32
    %broadcast_in_dim3A_286 = vector.broadcast %jit3A_285 : i32 to vector<16xi32>
    %select_n3A_287 = arith.select %eq3A_284, %get3A_281, %broadcast_in_dim3A_286 : vector<16xi1>, vector<16xi32>
    %reduce_sum3A_288 = arith.constant true
    %reduce_sum3A_289 = vector.broadcast %reduce_sum3A_288 : i1 to vector<16xi1>
    %reduce_sum3A_290 = tpu.scan <sum>, %select_n3A_287 masked %reduce_sum3A_289 : vector<16xi32>, vector<16xi1> -> vector<16xi32>
    %reduce_sum3A_291 = vector.extract %reduce_sum3A_290[15] : i32 from vector<16xi32>
    %shift_right_arithmetic3A_292 = arith.constant 7 : i32
    %shift_right_arithmetic3A_293 = arith.shrsi %reduce_sum3A_291, %shift_right_arithmetic3A_292 : i32
    %mul3A_294 = arith.constant 128 : i32
    %mul3A_295 = arith.muli %shift_right_arithmetic3A_293, %mul3A_294 : i32
    %multiple_of3A_296 = tpu.assume_multiple %mul3A_295, 128 : i32
    %dma_start3A_297 = arith.constant 8 : i32
    %dma_start3A_298 = arith.constant 8 : i32
    %dma_start3A_299 = arith.constant 0 : i32
    %dma_start3A_300 = arith.constant 0 : i32
    %dma_start3A_301 = tpu.memref_slice %arg6[%dma_start3A_298, %dma_start3A_299, %dma_start3A_300] : memref<10x64x128xf32, #tpu.memory_space<vmem>> -> memref<1x64x128xf32, #tpu.memory_space<vmem>>
    %dma_start3A_302 = arith.constant 0 : i32
    %dma_start3A_303 = arith.constant 0 : i32
    %dma_start3A_304 = tpu.memref_slice %arg2[%dma_start3A_302, %dma_start3A_303, %multiple_of3A_296] : memref<1x64x1000000xf32, #tpu.memory_space<hbm>> -> memref<1x64x128xf32, #tpu.memory_space<hbm>>
    %dma_start3A_305 = tpu.memref_slice %arg8[%dma_start3A_297] : memref<10x!tpu.dma_semaphore, #tpu.memory_space<semaphore_mem>> -> memref<1x!tpu.dma_semaphore, #tpu.memory_space<semaphore_mem>>
    %dma_start3A_306 = tpu.memref_squeeze %dma_start3A_305 : memref<1x!tpu.dma_semaphore, #tpu.memory_space<semaphore_mem>> -> memref<!tpu.dma_semaphore, #tpu.memory_space<semaphore_mem>>
    %dma_start3A_307 = arith.constant 8 : i32
    %dma_start3A_308 = arith.constant 0 : i32
    %dma_start3A_309 = arith.constant 0 : i32
    %dma_start3A_310 = tpu.memref_slice %arg6[%dma_start3A_307, %dma_start3A_308, %dma_start3A_309] : memref<10x64x128xf32, #tpu.memory_space<vmem>> -> memref<1x64x128xf32, #tpu.memory_space<vmem>>
    %dma_start3A_311 = arith.constant 0 : i32
    %dma_start3A_312 = arith.constant 0 : i32
    %dma_start3A_313 = tpu.memref_slice %arg2[%dma_start3A_311, %dma_start3A_312, %multiple_of3A_296] : memref<1x64x1000000xf32, #tpu.memory_space<hbm>> -> memref<1x64x128xf32, #tpu.memory_space<hbm>>
    tpu.enqueue_dma source(%dma_start3A_313 : memref<1x64x128xf32, #tpu.memory_space<hbm>>) target(%dma_start3A_310 : memref<1x64x128xf32, #tpu.memory_space<vmem>>) target_semaphore(%dma_start3A_306 : memref<!tpu.dma_semaphore, #tpu.memory_space<semaphore_mem>>)
    %scan3A = arith.constant 0 : i32
    %scan3A_314 = arith.constant 0 : i32
    %scan3A_315 = arith.constant 512 : i32
    %scan3A_316 = arith.addi %scan3A_314, %scan3A_315 : i32
    %scan3A_317 = arith.constant 1 : i32
    scf.for %scan3A_319 = %scan3A_314 to %scan3A_316 step %scan3A_317  : i32 {
      %add3A_320 = arith.constant 9 : i32
      %add3A_321 = arith.addi %scan3A_319, %add3A_320 : i32
      %lt3A = arith.constant 512 : i32
      %lt3A_322 = arith.cmpi slt, %add3A_321, %lt3A : i32
      %convert_element_type3A = arith.extui %lt3A_322 : i1 to i32
      %cond3A = arith.constant 0 : i32
      %cond3A_323 = arith.cmpi ne, %convert_element_type3A, %cond3A : i32
      scf.if %cond3A_323 {
        %add3A_447 = arith.constant 9 : i32
        %add3A_448 = arith.addi %scan3A_319, %add3A_447 : i32
        %and3A_449 = arith.constant -16 : i32
        %and3A_450 = arith.andi %add3A_448, %and3A_449 : i32
        %get3A_451 = arith.index_cast %and3A_450 : i32 to index
        %get3A_452 = tpu.vector_load %arg5[%get3A_451] {strides = array<i32>} : memref<512xi32, #tpu.memory_space<vmem>>, vector<16xi32>,
        %and3A_453 = arith.constant 15 : i32
        %and3A_454 = arith.andi %add3A_448, %and3A_453 : i32
        %eq3A_455 = vector.broadcast %and3A_454 : i32 to vector<16xi32>
        %eq3A_456 = arith.cmpi eq, %iota3A, %eq3A_455 : vector<16xi32>
        %jit3A_457 = arith.constant 0 : i32
        %broadcast_in_dim3A_458 = vector.broadcast %jit3A_457 : i32 to vector<16xi32>
        %select_n3A_459 = arith.select %eq3A_456, %get3A_452, %broadcast_in_dim3A_458 : vector<16xi1>, vector<16xi32>
        %reduce_sum3A_460 = arith.constant true
        %reduce_sum3A_461 = vector.broadcast %reduce_sum3A_460 : i1 to vector<16xi1>
        %reduce_sum3A_462 = tpu.scan <sum>, %select_n3A_459 masked %reduce_sum3A_461 : vector<16xi32>, vector<16xi1> -> vector<16xi32>
        %reduce_sum3A_463 = vector.extract %reduce_sum3A_462[15] : i32 from vector<16xi32>
        %shift_right_arithmetic3A_464 = arith.constant 7 : i32
        %shift_right_arithmetic3A_465 = arith.shrsi %reduce_sum3A_463, %shift_right_arithmetic3A_464 : i32
        %mul3A_466 = arith.constant 128 : i32
        %mul3A_467 = arith.muli %shift_right_arithmetic3A_465, %mul3A_466 : i32
        %multiple_of3A_468 = tpu.assume_multiple %mul3A_467, 128 : i32
        %jit3A_469 = arith.constant 10 : i32
        %eq3A_470 = arith.constant 0 : i32
        %eq3A_471 = arith.cmpi eq, %jit3A_469, %eq3A_470 : i32
        %jit3A_472 = arith.constant 1 : i32
        %select_n3A_473 = arith.select %eq3A_471, %jit3A_472, %jit3A_469 : i32
        %rem3A_474 = arith.remsi %add3A_448, %select_n3A_473 : i32
        %ne3A_475 = arith.constant 0 : i32
        %ne3A_476 = arith.cmpi ne, %rem3A_474, %ne3A_475 : i32
        %lt3A_477 = arith.constant 0 : i32
        %lt3A_478 = arith.cmpi slt, %rem3A_474, %lt3A_477 : i32
        %lt3A_479 = arith.constant 0 : i32
        %lt3A_480 = arith.cmpi slt, %select_n3A_473, %lt3A_479 : i32
        %ne3A_481 = arith.xori %lt3A_478, %lt3A_480 : i1
        %and3A_482 = arith.andi %ne3A_481, %ne3A_476 : i1
        %add3A_483 = arith.addi %rem3A_474, %select_n3A_473 : i32
        %select_n3A_484 = arith.select %and3A_482, %add3A_483, %rem3A_474 : i32
        %jit3A_485 = arith.constant 10 : i32
        %eq3A_486 = arith.constant 0 : i32
        %eq3A_487 = arith.cmpi eq, %jit3A_485, %eq3A_486 : i32
        %jit3A_488 = arith.constant 1 : i32
        %select_n3A_489 = arith.select %eq3A_487, %jit3A_488, %jit3A_485 : i32
        %rem3A_490 = arith.remsi %add3A_448, %select_n3A_489 : i32
        %ne3A_491 = arith.constant 0 : i32
        %ne3A_492 = arith.cmpi ne, %rem3A_490, %ne3A_491 : i32
        %lt3A_493 = arith.constant 0 : i32
        %lt3A_494 = arith.cmpi slt, %rem3A_490, %lt3A_493 : i32
        %lt3A_495 = arith.constant 0 : i32
        %lt3A_496 = arith.cmpi slt, %select_n3A_489, %lt3A_495 : i32
        %ne3A_497 = arith.xori %lt3A_494, %lt3A_496 : i1
        %and3A_498 = arith.andi %ne3A_497, %ne3A_492 : i1
        %add3A_499 = arith.addi %rem3A_490, %select_n3A_489 : i32
        %select_n3A_500 = arith.select %and3A_498, %add3A_499, %rem3A_490 : i32
        %dma_start3A_501 = arith.constant 0 : i32
        %dma_start3A_502 = arith.constant 0 : i32
        %dma_start3A_503 = tpu.memref_slice %arg6[%select_n3A_484, %dma_start3A_501, %dma_start3A_502] : memref<10x64x128xf32, #tpu.memory_space<vmem>> -> memref<1x64x128xf32, #tpu.memory_space<vmem>>
        %dma_start3A_504 = arith.constant 0 : i32
        %dma_start3A_505 = arith.constant 0 : i32
        %dma_start3A_506 = tpu.memref_slice %arg2[%dma_start3A_504, %dma_start3A_505, %multiple_of3A_468] : memref<1x64x1000000xf32, #tpu.memory_space<hbm>> -> memref<1x64x128xf32, #tpu.memory_space<hbm>>
        %dma_start3A_507 = tpu.memref_slice %arg8[%select_n3A_500] : memref<10x!tpu.dma_semaphore, #tpu.memory_space<semaphore_mem>> -> memref<1x!tpu.dma_semaphore, #tpu.memory_space<semaphore_mem>>
        %dma_start3A_508 = tpu.memref_squeeze %dma_start3A_507 : memref<1x!tpu.dma_semaphore, #tpu.memory_space<semaphore_mem>> -> memref<!tpu.dma_semaphore, #tpu.memory_space<semaphore_mem>>
        %dma_start3A_509 = arith.constant 0 : i32
        %dma_start3A_510 = arith.constant 0 : i32
        %dma_start3A_511 = tpu.memref_slice %arg6[%select_n3A_484, %dma_start3A_509, %dma_start3A_510] : memref<10x64x128xf32, #tpu.memory_space<vmem>> -> memref<1x64x128xf32, #tpu.memory_space<vmem>>
        %dma_start3A_512 = arith.constant 0 : i32
        %dma_start3A_513 = arith.constant 0 : i32
        %dma_start3A_514 = tpu.memref_slice %arg2[%dma_start3A_512, %dma_start3A_513, %multiple_of3A_468] : memref<1x64x1000000xf32, #tpu.memory_space<hbm>> -> memref<1x64x128xf32, #tpu.memory_space<hbm>>
        tpu.enqueue_dma source(%dma_start3A_514 : memref<1x64x128xf32, #tpu.memory_space<hbm>>) target(%dma_start3A_511 : memref<1x64x128xf32, #tpu.memory_space<vmem>>) target_semaphore(%dma_start3A_508 : memref<!tpu.dma_semaphore, #tpu.memory_space<semaphore_mem>>)
      } else {
      }
      %jit3A_324 = arith.constant 10 : i32
      %eq3A_325 = arith.constant 0 : i32
      %eq3A_326 = arith.cmpi eq, %jit3A_324, %eq3A_325 : i32
      %jit3A_327 = arith.constant 1 : i32
      %select_n3A_328 = arith.select %eq3A_326, %jit3A_327, %jit3A_324 : i32
      %rem3A = arith.remsi %scan3A_319, %select_n3A_328 : i32
      %ne3A = arith.constant 0 : i32
      %ne3A_329 = arith.cmpi ne, %rem3A, %ne3A : i32
      %lt3A_330 = arith.constant 0 : i32
      %lt3A_331 = arith.cmpi slt, %rem3A, %lt3A_330 : i32
      %lt3A_332 = arith.constant 0 : i32
      %lt3A_333 = arith.cmpi slt, %select_n3A_328, %lt3A_332 : i32
      %ne3A_334 = arith.xori %lt3A_331, %lt3A_333 : i1
      %and3A = arith.andi %ne3A_334, %ne3A_329 : i1
      %add3A_335 = arith.addi %rem3A, %select_n3A_328 : i32
      %select_n3A_336 = arith.select %and3A, %add3A_335, %rem3A : i32
      %jit3A_337 = arith.constant 10 : i32
      %eq3A_338 = arith.constant 0 : i32
      %eq3A_339 = arith.cmpi eq, %jit3A_337, %eq3A_338 : i32
      %jit3A_340 = arith.constant 1 : i32
      %select_n3A_341 = arith.select %eq3A_339, %jit3A_340, %jit3A_337 : i32
      %rem3A_342 = arith.remsi %scan3A_319, %select_n3A_341 : i32
      %ne3A_343 = arith.constant 0 : i32
      %ne3A_344 = arith.cmpi ne, %rem3A_342, %ne3A_343 : i32
      %lt3A_345 = arith.constant 0 : i32
      %lt3A_346 = arith.cmpi slt, %rem3A_342, %lt3A_345 : i32
      %lt3A_347 = arith.constant 0 : i32
      %lt3A_348 = arith.cmpi slt, %select_n3A_341, %lt3A_347 : i32
      %ne3A_349 = arith.xori %lt3A_346, %lt3A_348 : i1
      %and3A_350 = arith.andi %ne3A_349, %ne3A_344 : i1
      %add3A_351 = arith.addi %rem3A_342, %select_n3A_341 : i32
      %select_n3A_352 = arith.select %and3A_350, %add3A_351, %rem3A_342 : i32
      %dma_wait3A = arith.constant 0 : i32
      %dma_wait3A_353 = arith.constant 0 : i32
      %dma_wait3A_354 = tpu.memref_slice %arg6[%select_n3A_336, %dma_wait3A, %dma_wait3A_353] : memref<10x64x128xf32, #tpu.memory_space<vmem>> -> memref<1x64x128xf32, #tpu.memory_space<vmem>>
      %dma_wait3A_355 = arith.constant 0 : i32
      %dma_wait3A_356 = arith.constant 0 : i32
      %dma_wait3A_357 = arith.constant 0 : i32
      %dma_wait3A_358 = tpu.memref_slice %arg2[%dma_wait3A_355, %dma_wait3A_356, %dma_wait3A_357] : memref<1x64x1000000xf32, #tpu.memory_space<hbm>> -> memref<1x64x128xf32, #tpu.memory_space<hbm>>
      %dma_wait3A_359 = tpu.memref_slice %arg8[%select_n3A_352] : memref<10x!tpu.dma_semaphore, #tpu.memory_space<semaphore_mem>> -> memref<1x!tpu.dma_semaphore, #tpu.memory_space<semaphore_mem>>
      %dma_wait3A_360 = tpu.memref_squeeze %dma_wait3A_359 : memref<1x!tpu.dma_semaphore, #tpu.memory_space<semaphore_mem>> -> memref<!tpu.dma_semaphore, #tpu.memory_space<semaphore_mem>>
      %dma_wait3A_361 = arith.constant 0 : i32
      %dma_wait3A_362 = arith.constant 0 : i32
      %dma_wait3A_363 = tpu.memref_slice %arg6[%select_n3A_336, %dma_wait3A_361, %dma_wait3A_362] : memref<10x64x128xf32, #tpu.memory_space<vmem>> -> memref<1x64x128xf32, #tpu.memory_space<vmem>>
      %dma_wait3A_364 = arith.constant 0 : i32
      %dma_wait3A_365 = arith.constant 0 : i32
      %dma_wait3A_366 = arith.constant 0 : i32
      %dma_wait3A_367 = tpu.memref_slice %arg2[%dma_wait3A_364, %dma_wait3A_365, %dma_wait3A_366] : memref<1x64x1000000xf32, #tpu.memory_space<hbm>> -> memref<1x64x128xf32, #tpu.memory_space<hbm>>
      tpu.wait_dma2 semaphore(%dma_wait3A_360 : memref<!tpu.dma_semaphore, #tpu.memory_space<semaphore_mem>>) src(%dma_wait3A_367 : memref<1x64x128xf32, #tpu.memory_space<hbm>>) dst(%dma_wait3A_363 : memref<1x64x128xf32, #tpu.memory_space<vmem>>)
      %and3A_368 = arith.constant -16 : i32
      %and3A_369 = arith.andi %scan3A_319, %and3A_368 : i32
      %get3A_370 = arith.index_cast %and3A_369 : i32 to index
      %get3A_371 = tpu.vector_load %arg5[%get3A_370] {strides = array<i32>} : memref<512xi32, #tpu.memory_space<vmem>>, vector<16xi32>,
      %and3A_372 = arith.constant 15 : i32
      %and3A_373 = arith.andi %scan3A_319, %and3A_372 : i32
      %eq3A_374 = vector.broadcast %and3A_373 : i32 to vector<16xi32>
      %eq3A_375 = arith.cmpi eq, %iota3A, %eq3A_374 : vector<16xi32>
      %jit3A_376 = arith.constant 0 : i32
      %broadcast_in_dim3A_377 = vector.broadcast %jit3A_376 : i32 to vector<16xi32>
      %select_n3A_378 = arith.select %eq3A_375, %get3A_371, %broadcast_in_dim3A_377 : vector<16xi1>, vector<16xi32>
      %reduce_sum3A_379 = arith.constant true
      %reduce_sum3A_380 = vector.broadcast %reduce_sum3A_379 : i1 to vector<16xi1>
      %reduce_sum3A_381 = tpu.scan <sum>, %select_n3A_378 masked %reduce_sum3A_380 : vector<16xi32>, vector<16xi1> -> vector<16xi32>
      %reduce_sum3A_382 = vector.extract %reduce_sum3A_381[15] : i32 from vector<16xi32>
      %and3A_383 = arith.constant 127 : i32
      %and3A_384 = arith.andi %reduce_sum3A_382, %and3A_383 : i32
      %add3A_385 = vector.broadcast %and3A_384 : i32 to vector<16xi32>
      %add3A_386 = arith.addi %broadcast_in_dim3A_3, %add3A_385 : vector<16xi32>
      %jit3A_387 = arith.constant 10 : i32
      %eq3A_388 = arith.constant 0 : i32
      %eq3A_389 = arith.cmpi eq, %jit3A_387, %eq3A_388 : i32
      %jit3A_390 = arith.constant 1 : i32
      %select_n3A_391 = arith.select %eq3A_389, %jit3A_390, %jit3A_387 : i32
      %rem3A_392 = arith.remsi %scan3A_319, %select_n3A_391 : i32
      %ne3A_393 = arith.constant 0 : i32
      %ne3A_394 = arith.cmpi ne, %rem3A_392, %ne3A_393 : i32
      %lt3A_395 = arith.constant 0 : i32
      %lt3A_396 = arith.cmpi slt, %rem3A_392, %lt3A_395 : i32
      %lt3A_397 = arith.constant 0 : i32
      %lt3A_398 = arith.cmpi slt, %select_n3A_391, %lt3A_397 : i32
      %ne3A_399 = arith.xori %lt3A_396, %lt3A_398 : i1
      %and3A_400 = arith.andi %ne3A_399, %ne3A_394 : i1
      %add3A_401 = arith.addi %rem3A_392, %select_n3A_391 : i32
      %select_n3A_402 = arith.select %and3A_400, %add3A_401, %rem3A_392 : i32
      %add3A_403 = vector.broadcast %select_n3A_402 : i32 to vector<16xi32>
      %add3A_404 = arith.addi %broadcast_in_dim3A_3, %add3A_403 : vector<16xi32>
      %jit3A_405 = arith.constant 256 : i32
      %eq3A_406 = arith.constant 0 : i32
      %eq3A_407 = arith.cmpi eq, %jit3A_405, %eq3A_406 : i32
      %jit3A_408 = arith.constant 1 : i32
      %select_n3A_409 = arith.select %eq3A_407, %jit3A_408, %jit3A_405 : i32
      %rem3A_410 = arith.remsi %scan3A_319, %select_n3A_409 : i32
      %ne3A_411 = arith.constant 0 : i32
      %ne3A_412 = arith.cmpi ne, %rem3A_410, %ne3A_411 : i32
      %lt3A_413 = arith.constant 0 : i32
      %lt3A_414 = arith.cmpi slt, %rem3A_410, %lt3A_413 : i32
      %lt3A_415 = arith.constant 0 : i32
      %lt3A_416 = arith.cmpi slt, %select_n3A_409, %lt3A_415 : i32
      %ne3A_417 = arith.xori %lt3A_414, %lt3A_416 : i1
      %and3A_418 = arith.andi %ne3A_417, %ne3A_412 : i1
      %add3A_419 = arith.addi %rem3A_410, %select_n3A_409 : i32
      %select_n3A_420 = arith.select %and3A_418, %add3A_419, %rem3A_410 : i32
      %add3A_421 = vector.broadcast %select_n3A_420 : i32 to vector<16xi32>
      %add3A_422 = arith.addi %broadcast_in_dim3A_3, %add3A_421 : vector<16xi32>
      %gather3A = tpu.vector_load_idx %arg6[%add3A_404, %add3A_6, %add3A_386] : memref<10x64x128xf32, #tpu.memory_space<vmem>>[vector<16xi32>, vector<16xi32>, vector<16xi32>], vector<16xf32>,
      tpu.vector_store_idx %arg7[%add3A_6, %add3A_422], %gather3A : memref<64x256xf32, #tpu.memory_space<vmem>>[vector<16xi32>, vector<16xi32>], vector<16xf32>,
      %gather3A_423 = tpu.vector_load_idx %arg6[%add3A_404, %add3A_9, %add3A_386] : memref<10x64x128xf32, #tpu.memory_space<vmem>>[vector<16xi32>, vector<16xi32>, vector<16xi32>], vector<16xf32>,
      tpu.vector_store_idx %arg7[%add3A_9, %add3A_422], %gather3A_423 : memref<64x256xf32, #tpu.memory_space<vmem>>[vector<16xi32>, vector<16xi32>], vector<16xf32>,
      %gather3A_424 = tpu.vector_load_idx %arg6[%add3A_404, %add3A_12, %add3A_386] : memref<10x64x128xf32, #tpu.memory_space<vmem>>[vector<16xi32>, vector<16xi32>, vector<16xi32>], vector<16xf32>,
      tpu.vector_store_idx %arg7[%add3A_12, %add3A_422], %gather3A_424 : memref<64x256xf32, #tpu.memory_space<vmem>>[vector<16xi32>, vector<16xi32>], vector<16xf32>,
      %gather3A_425 = tpu.vector_load_idx %arg6[%add3A_404, %add3A_15, %add3A_386] : memref<10x64x128xf32, #tpu.memory_space<vmem>>[vector<16xi32>, vector<16xi32>, vector<16xi32>], vector<16xf32>,
      tpu.vector_store_idx %arg7[%add3A_15, %add3A_422], %gather3A_425 : memref<64x256xf32, #tpu.memory_space<vmem>>[vector<16xi32>, vector<16xi32>], vector<16xf32>,
      %jit3A_426 = arith.constant 128 : i32
      %eq3A_427 = arith.constant 0 : i32
      %eq3A_428 = arith.cmpi eq, %jit3A_426, %eq3A_427 : i32
      %jit3A_429 = arith.constant 1 : i32
      %select_n3A_430 = arith.select %eq3A_428, %jit3A_429, %jit3A_426 : i32
      %rem3A_431 = arith.remsi %scan3A_319, %select_n3A_430 : i32
      %ne3A_432 = arith.constant 0 : i32
      %ne3A_433 = arith.cmpi ne, %rem3A_431, %ne3A_432 : i32
      %lt3A_434 = arith.constant 0 : i32
      %lt3A_435 = arith.cmpi slt, %rem3A_431, %lt3A_434 : i32
      %lt3A_436 = arith.constant 0 : i32
      %lt3A_437 = arith.cmpi slt, %select_n3A_430, %lt3A_436 : i32
      %ne3A_438 = arith.xori %lt3A_435, %lt3A_437 : i1
      %and3A_439 = arith.andi %ne3A_438, %ne3A_433 : i1
      %add3A_440 = arith.addi %rem3A_431, %select_n3A_430 : i32
      %select_n3A_441 = arith.select %and3A_439, %add3A_440, %rem3A_431 : i32
      %eq3A_442 = arith.constant 127 : i32
      %eq3A_443 = arith.cmpi eq, %select_n3A_441, %eq3A_442 : i32
      %convert_element_type3A_444 = arith.extui %eq3A_443 : i1 to i32
      %cond3A_445 = arith.constant 0 : i32
      %cond3A_446 = arith.cmpi ne, %convert_element_type3A_444, %cond3A_445 : i32
      scf.if %cond3A_446 {
        %and3A_447 = arith.constant 128 : i32
        %and3A_448 = arith.andi %scan3A_319, %and3A_447 : i32
        %multiple_of3A_449 = tpu.assume_multiple %and3A_448, 128 : i32
        %sub3A = arith.constant 127 : i32
        %sub3A_450 = arith.subi %scan3A_319, %sub3A : i32
        %add3A_451 = arith.addi %mul3A_2, %sub3A_450 : i32
        %multiple_of3A_452 = tpu.assume_multiple %add3A_451, 128 : i32
        "tpu.region"() ({
          %run_scoped3A = tpu.sem_alloc : memref<!tpu.dma_semaphore, #tpu.memory_space<semaphore_mem>>
          %dma_start3A_453 = arith.constant 0 : i32
          %dma_start3A_454 = tpu.memref_slice %arg7[%dma_start3A_453, %multiple_of3A_449] : memref<64x256xf32, #tpu.memory_space<vmem>> -> memref<64x128xf32, #tpu.memory_space<vmem>>
          %dma_start3A_455 = arith.constant 0 : i32
          %dma_start3A_456 = tpu.memref_slice %arg4[%dma_start3A_455, %multiple_of3A_452] : memref<64x16384xf32, #tpu.memory_space<hbm>> -> memref<64x128xf32, #tpu.memory_space<hbm>>
          %dma_start3A_457 = arith.constant 0 : i32
          %dma_start3A_458 = tpu.memref_slice %arg4[%dma_start3A_457, %multiple_of3A_452] : memref<64x16384xf32, #tpu.memory_space<hbm>> -> memref<64x128xf32, #tpu.memory_space<hbm>>
          %dma_start3A_459 = arith.constant 0 : i32
          %dma_start3A_460 = tpu.memref_slice %arg7[%dma_start3A_459, %multiple_of3A_449] : memref<64x256xf32, #tpu.memory_space<vmem>> -> memref<64x128xf32, #tpu.memory_space<vmem>>
          tpu.enqueue_dma source(%dma_start3A_460 : memref<64x128xf32, #tpu.memory_space<vmem>>) target(%dma_start3A_458 : memref<64x128xf32, #tpu.memory_space<hbm>>) target_semaphore(%run_scoped3A : memref<!tpu.dma_semaphore, #tpu.memory_space<semaphore_mem>>)
          %dma_wait3A_461 = arith.constant 0 : i32
          %dma_wait3A_462 = tpu.memref_slice %arg7[%dma_wait3A_461, %multiple_of3A_449] : memref<64x256xf32, #tpu.memory_space<vmem>> -> memref<64x128xf32, #tpu.memory_space<vmem>>
          %dma_wait3A_463 = arith.constant 0 : i32
          %dma_wait3A_464 = tpu.memref_slice %arg4[%dma_wait3A_463, %multiple_of3A_452] : memref<64x16384xf32, #tpu.memory_space<hbm>> -> memref<64x128xf32, #tpu.memory_space<hbm>>
          %dma_wait3A_465 = arith.constant 0 : i32
          %dma_wait3A_466 = tpu.memref_slice %arg4[%dma_wait3A_465, %multiple_of3A_452] : memref<64x16384xf32, #tpu.memory_space<hbm>> -> memref<64x128xf32, #tpu.memory_space<hbm>>
          %dma_wait3A_467 = arith.constant 0 : i32
          %dma_wait3A_468 = tpu.memref_slice %arg7[%dma_wait3A_467, %multiple_of3A_449] : memref<64x256xf32, #tpu.memory_space<vmem>> -> memref<64x128xf32, #tpu.memory_space<vmem>>
          tpu.wait_dma2 semaphore(%run_scoped3A : memref<!tpu.dma_semaphore, #tpu.memory_space<semaphore_mem>>) src(%dma_wait3A_468 : memref<64x128xf32, #tpu.memory_space<vmem>>) dst(%dma_wait3A_466 : memref<64x128xf32, #tpu.memory_space<hbm>>)
          tpu.yield
        }) : () -> ()
      } else {
      }
    }
    %scan3A_318 = arith.constant 512 : i32
    return
  }
}

</mosaic_0001>

<sc_bundles>
// kernel: kernel.3.cloned.1.call-start
scs
__scs_entry_jumppad:
0x0: {  	(pc) =	sbr.rel $0x88, $3  }
0x1: {  	(tag) =	ssettag $0x0;
	lr =	simm.s32 $0x1  }
0x2: {  	[smem:$0x3F9F] =	sst lr;
	_ =	strace $0xD0000000  }
0x3: {  	_ = 	snop  }
0x4: {  	_ = 	snop  }
0x5: {  	_ = 	snop  }
0x6: {  	_ = 	snop  }
0x7: {  	_ = 	snop  }
__scs_overlays_trampoline_lowered:
0x8: {  	[smem:$0x3FAE] =	sst s0  }
0x9: {  	[smem:$0x3FAF] =	sst s1  }
0xa: {  	[smem:$0x3FB0] =	sst s2  }
0xb: {  	[smem:$0x3FB1] =	sst s3  }
0xc: {  	[smem:$0x3FB2] =	sst s4  }
0xd: {  	[smem:$0x3FB3] =	sst s5  }
0xe: {  	[smem:$0x3FB4] =	sst s6  }
0xf: {  	[smem:$0x3FB5] =	sst s7  }
0x10: {  	[smem:$0x3FB6] =	sst s8  }
0x11: {  	[smem:$0x3FB7] =	sst s9;
	s0 =	simm.s32 @!p0 $0x0  }
0x12: {  	s1 =	sld [smem:$0x3F9D];
	s0 =	simm.s32 @p0 $0x1  }
0x13: {  	[smem:$0x3FB8] =	sst s0;
	s0 =	simm.s32 @!p1 $0x0  }
0x14: {  	s2 =	sld [smem:$0x3F9C];
	s0 =	simm.s32 @p1 $0x1  }
0x15: {  	[smem:$0x3FB9] =	sst s0;
	s0 =	simm.s32 @!p2 $0x0  }
0x16: {  	s3 =	sld [smem:$0x3FDB];
	s0 =	simm.s32 @p2 $0x1  }
0x17: {  	s4 =	simm.s32 $0x1BF5;
	[smem:$0x3FBB] =	sst s0  }
0x18: {  	s0 =	sld [smem:$0x3F9E];
	_ =	swait.ge [sflag:s4], $0x0  }
0x19: {  	s7 =	sld [smem:$0x3F9F]  }
0x1a: {  	s8 =	sadd.s32 $0xFFFFE003, lr  }
0x1b: {  	s9 =	sadd.s32 $0xFFFFFEF7, lr;
	s5 =	simm.s32 $0xFFFFFFFF;
	p2 =	slt.u32 s8, $0xFFFFF086  }
0x1c: {  	p1 =	slt.u32 s9, $0xF7A;
	s5 =	simm.s32 @!p2 $0x0  }
0x1d: {  	s5 =	simm.s32 @p1 $0x1;
	p0 =	seq.s32 s7, s2  }
0x1e: {  	s7 =	smul.u32 @!p0 $0xF7A, s2;
	p2 =	seq.s32 @!p0 s5, $0x0  }
0x1f: {  	s9 =	smul.u32 $0xF7A, s1;
	s8 =	simm.s32 @!p0 $0x1BF5;
	p2 =	por !p2, p0  }
0x20: {  	[sflag:s8] =	ssyncset.s32 @!p0 $0xFFFFF086;
	s6 =	sadd.s32 @!p0 s3, s7;
	s7 =	simm.s32 @!p0 $0x108  }
0x21: {  	s3 =	sadd.s32 s3, s9;
	s6 =	sadd.s32 @!p0 $0x88, s6;
	s7 =	simm.s32 @p2 $0x1082  }
0x22: {  	[simem:s7], [sflag:s8] =	dma.local @!p0 [hbm:s6], $0xF7A  }
0x23: {  	s9 =	sor.u32 $0xD0000000, s2;
	s6 =	simm.s32 $0x108;
	_ =	swait.ge @!p0 [sflag:s8], $0x0  }
0x24: {  	s3 =	sadd.s32 $0x88, s3;
	s6 =	simm.s32 @!p1 $0x1082;
	[sflag:s4] =	ssyncset.s32 $0xFFFFF086  }
0x25: {  	[simem:s6], [sflag:s4] =	dma.local [hbm:s3], $0xF7A  }
0x26: {  	[smem:$0x3F9F] =	sst s1;
	(tag) =	ssettag s2;
	_ =	strace s9  }
0x27: {  	s1 =	sld [smem:$0x3FAF]  }
0x28: {  	s2 =	sld [smem:$0x3FB0]  }
0x29: {  	s4 =	sld [smem:$0x3FB2]  }
0x2a: {  	p0 =	seq.s32 s5, $0x0;
	s5 =	sld [smem:$0x3FB3]  }
0x2b: {  	s6 =	sld [smem:$0x3FB4]  }
0x2c: {  	s7 =	sld [smem:$0x3FB5]  }
0x2d: {  	s3 =	simm.s32 $0x108;
	s8 =	sld [smem:$0x3FB6]  }
0x2e: {  	s3 =	simm.s32 @!p0 $0x1082;
	s9 =	sld [smem:$0x3FB7]  }
0x2f: {  	lr =	sadd.s32 s0, s3;
	s0 =	sld [smem:$0x3FAE]  }
0x30: {  	s3 =	sld [smem:$0x3FB1]  }
0x31: {  	[smem:$0x3FBA] =	sst s10  }
0x32: {  	s10 =	sld [smem:$0x3FB8];
	_ =	sdelay $0x3  }
0x33: {  	p0 =	seq.s32 s10, $0x1;
	s10 =	sld [smem:$0x3FBA];
	_ =	sdelay $0x3  }
0x34: {  	[smem:$0x3FBA] =	sst s10  }
0x35: {  	s10 =	sld [smem:$0x3FB9];
	_ =	sdelay $0x3  }
0x36: {  	p1 =	seq.s32 s10, $0x1;
	s10 =	sld [smem:$0x3FBA];
	_ =	sdelay $0x3  }
0x37: {  	[smem:$0x3FBA] =	sst s10  }
0x38: {  	s10 =	sld [smem:$0x3FBB]  }
0x39: {  	_ = 	snop;
	(pc) =	sbr.ind lr, $3  }
0x3a: {  	_ = 	snop  }
0x3b: {  	_ = 	snop  }
0x3c: {  	p2 =	seq.s32 s10, $0x1;
	s10 =	sld [smem:$0x3FBA]  }
0x3d: {  	_ =	shalt  }
0x3e: {  	_ =	shalt  }
0x3f: {  	_ =	shalt  }
0x40: {  	_ =	shalt  }
0x41: {  	_ =	shalt  }
0x42: {  	_ =	shalt  }
0x43: {  	_ =	shalt  }
0x44: {  	_ =	shalt  }
0x45: {  	_ =	shalt  }
0x46: {  	_ =	shalt  }
0x47: {  	_ =	shalt  }
0x48: {  	_ =	shalt  }
0x49: {  	_ =	shalt  }
0x4a: {  	_ =	shalt  }
0x4b: {  	_ =	shalt  }
0x4c: {  	_ =	shalt  }
0x4d: {  	_ =	shalt  }
0x4e: {  	_ =	shalt  }
0x4f: {  	_ =	shalt  }
0x50: {  	_ =	shalt  }
0x51: {  	_ =	shalt  }
0x52: {  	_ =	shalt  }
0x53: {  	_ =	shalt  }
0x54: {  	_ =	shalt  }
0x55: {  	_ =	shalt  }
0x56: {  	_ =	shalt  }
0x57: {  	_ =	shalt  }
0x58: {  	_ =	shalt  }
0x59: {  	_ =	shalt  }
0x5a: {  	_ =	shalt  }
0x5b: {  	_ =	shalt  }
0x5c: {  	_ =	shalt  }
0x5d: {  	_ =	shalt  }
0x5e: {  	_ =	shalt  }
0x5f: {  	_ =	shalt  }
0x60: {  	_ =	shalt  }
0x61: {  	_ =	shalt  }
0x62: {  	_ =	shalt  }
0x63: {  	_ =	shalt  }
0x64: {  	_ =	shalt  }
0x65: {  	_ =	shalt  }
0x66: {  	_ =	shalt  }
0x67: {  	_ =	shalt  }
0x68: {  	_ =	shalt  }
0x69: {  	_ =	shalt  }
0x6a: {  	_ =	shalt  }
0x6b: {  	_ =	shalt  }
0x6c: {  	_ =	shalt  }
0x6d: {  	_ =	shalt  }
0x6e: {  	_ =	shalt  }
0x6f: {  	_ =	shalt  }
0x70: {  	_ =	shalt  }
0x71: {  	_ =	shalt  }
0x72: {  	_ =	shalt  }
0x73: {  	_ =	shalt  }
0x74: {  	_ =	shalt  }
0x75: {  	_ =	shalt  }
0x76: {  	_ =	shalt  }
0x77: {  	_ =	shalt  }
0x78: {  	_ =	shalt  }
0x79: {  	_ =	shalt  }
0x7a: {  	_ =	shalt  }
0x7b: {  	_ =	shalt  }
0x7c: {  	_ =	shalt  }
0x7d: {  	_ =	shalt  }
0x7e: {  	_ =	shalt  }
0x7f: {  	_ =	shalt  }
0x80: {  	_ =	shalt  }
0x81: {  	_ =	shalt  }
0x82: {  	_ =	shalt  }
0x83: {  	_ =	shalt  }
0x84: {  	_ =	shalt  }
0x85: {  	_ =	shalt  }
0x86: {  	_ =	shalt  }
0x87: {  	_ =	shalt  }
.Lfunc_end0:
.L_simem_size_0:
called_computation_lowered:
.L_overlay_start_0:
0x88: {  	s2 =	sld [smem:$0x3FD9]  }
0x89: {  	s3 =	sld [smem:$0x3FFE];
	_ =	sdelay $0x1  }
0x8a: {  	s1 =	srdreg.scid  }
0x8b: {  	s0 =	sand.u32 $0x1, s1  }
0x8c: {  	s18 =	sshll.u32 s0, $0xA;
	s2 =	sadd.s32 s3, s2  }
0x8d: {  	s2 =	sadd.s32 s2, s18  }
0x8e: {  	[smem:$0x3FC6] =	sst s2  }
0x8f: {  	_ = 	snop  }
0x90: {  	s2 =	sld [smem:$0x3FC9]  }
0x91: {  	s19 =	sld [smem:$0x3FC8]  }
0x92: {  	s4 =	sld [smem:$0x3FD0];
	(tm) =	ssettm $0x1  }
0x93: {  	s5 =	sld [smem:$0x3FFB];
	_ =	sdelay $0x3  }
0x94: {  	_ =	strace s5  }
0x95: {  	s5 =	sld [smem:$0x3FFC];
	_ =	sdelay $0x3  }
0x96: {  	_ =	strace s5  }
0x97: {  	s5 =	sld [smem:$0x3FFD];
	_ =	sdelay $0x3  }
0x98: {  	_ =	strace s5  }
0x99: {  	_ =	strace $0x8FFFFFFF  }
0x9a: {  	s20 =	sld [smem:$0x3FDB];
	_ =	sdelay $0x1  }
0x9b: {  	s6 =	simm.s32 $_scs_section_size  }
0x9c: {  	s7 =	simm.s32 $_size__tile_overlayer_lowered;
	s8 =	simm.s32 $_tile_overlayer_lowered  }
0x9d: {  	s23 =	simm.s32 $0x1BFF;
	s22 =	sshll.u32 s8, $0x1;
	s5 =	sadd.s32 s6, s20  }
0x9e: {  	s9 =	simm.s32 $0x0;
	s21 =	sshll.u32 s7, $0x1;
	s7 =	sadd.s32 s22, s5  }
0x9f: {  	[timem:s9], [sflag:s23] =	dma.local [hbm:s7], s21  }
0xa0: {  	_ =	swait.ge [sflag:s23], s21  }
0xa1: {  	s6 =	ssub.s32 $0x0, s21;
	[sflag:s23] =	ssyncset.done $0x0  }
0xa2: {  	[sflag:s23] =	ssyncadd.s32 s6;
	_ =	sdelay $0x1  }
0xa3: {  	s24 =	simm.s32 $0x1B8B  }
0xa4: {  	_ =	swait.ge [sflag:s24], $0x1  }
0xa5: {  	[sflag:s24] =	ssyncset.done $0x0  }
0xa6: {  	s25 =	simm.s32 $0x1B8E;
	[sflag:s24] =	ssyncadd.s32 $0xFFFFFFFF  }
0xa7: {  	s26 =	simm.s32 $execute0_lowered;
	[smem:$0x3FD2] =	sst s25  }
0xa8: {  	s6 =	sshll.u32 s26, $0x1;
	_ =	strace $0x80000046;
	[dreg:$0x1] =	wrdreg $0xFFFFFFFF  }
0xa9: {  	s28 =	simm.s32 $_size_execute0_lowered;
	s5 =	sadd.s32 s5, s6;
	[dreg:$0x0] =	wrdreg $0x0  }
0xaa: {  	s6 =	sshll.u32 s28, $0x1;
	[dreg:$0x2] =	wrdreg s5  }
0xab: {  	[dreg:$0x3] =	wrdreg s6  }
0xac: {  	[dreg:$0x4] =	wrdreg $0xC0  }
0xad: {  	_ =	task [dreg:s9], $0x5FFFF  }
0xae: {  	[dreg:$0x1] =	wrdreg $0xFFFFFFFF  }
0xaf: {  	[dreg:$0x0] =	wrdreg $0x60  }
0xb0: {  	[dreg:$0x2] =	wrdreg s19  }
0xb1: {  	[dreg:$0x3] =	wrdreg s2  }
0xb2: {  	[dreg:$0x4] =	wrdreg s4  }
0xb3: {  	[dreg:$0x5] =	wrdreg $0x9  }
0xb4: {  	_ =	task.clear_ibuf [dreg:s9], $0x6FFFF;
	_ =	strace $0x90000046  }
0xb5: {  	s29 =	simm.s32 $0x9;
	_ =	strace $0x80000048  }
0xb6: {  	_ =	swait.ge [sflag:s29], $0x1  }
0xb7: {  	[sflag:s29] =	ssyncadd.s32 $0xFFFFFFFF  }
0xb8: {  	_ =	strace $0x90000048  }
0xb9: {  	_ =	sfence  }
0xba: {  	s30 =	sld [smem:$0x0];
	_ =	sdelay $0x2  }
0xbb: {  	s31 =	sshll.u32 s1, $0xD;
	s1 =	sshrl.u32 s1, $0x2  }
0xbc: {  	s3 =	sand.u32 $0x4000, s31;
	s1 =	sadd.s32 s1, s30  }
0xbd: {  	s0 =	sor.u32 s3, s0;
	s1 =	sshll.u32 s1, $0x11  }
0xbe: {  	s0 =	sor.u32 s1, s0  }
0xbf: {  	s0 =	sadd.s32 $0x8F2B, s0  }
0xc0: {  	[sflag:s0] =	ssyncadd.remote.s32 $0x1  }
0xc1: {  	_ =	sfence.sel $0xFFFF  }
0xc2: {  	[dreg:$0x0] =	wrdreg $0xFFFFFFFF;
	(pc) =	sbr.abs _section_cstart, $3  }
0xc3: {  	[dreg:$0x1] =	wrdreg $0xFFFFFFFF  }
0xc4: {  	_ =	task.clear_ibuf [dreg:s9], $0x2FFFF;
	_ =	strace $0x9FFFFFFF  }
0xc5: {  	(tm) =	ssettm $0x7FFFFFFF  }
tec
execute0_lowered:
.L_overlay_start_1:
0x0: {  	(tag) =	ssettag $0x1  }
0x1: {  	v0 =	vimm.s32 $0xB80;
	vm2 =	vcmask $0x300;
	vm3 =	vcmask $0x704  }
0x2: {  	vm6 =	vcmask $0xB08;
	vm7 =	vcmask $0xF0C;
	vm8 =	vcmask $0x1310  }
0x3: {  	vm4 =	vcmask $0x1714;
	vm0 =	vmmov $0x1;
	vm5 =	vcmask $0x1B18  }
0x4: {  	vm1 =	vcmask $0x308;
	v1 =	vimm.s32 $0x1B80;
	v2 =	vimm.s32 $0x2B80  }
0x5: {  	v3 =	vimm.s32 $0x3B80;
	vm9 =	vcmask $0x1F1C;
	v0 =	vsel vm2, $0x0, v0  }
0x6: {  	v1 =	vsel vm2, $0x1000, v1;
	v2 =	vsel vm2, $0x2000, v2;
	v3 =	vsel vm2, $0x3000, v3  }
0x7: {  	vm2 =	vcmask $0x70C;
	v0 =	vsel vm3, $0x80, v0;
	v1 =	vsel vm3, $0x1080, v1  }
0x8: {  	v2 =	vsel vm3, $0x2080, v2;
	v3 =	vsel vm3, $0x3080, v3;
	vm3 =	vcmask $0xB10  }
0x9: {  	v0 =	vsel vm6, $0x100, v0;
	v1 =	vsel vm6, $0x1100, v1;
	v2 =	vsel vm6, $0x2100, v2  }
0xa: {  	v3 =	vsel vm6, $0x3100, v3;
	vm6 =	vcmask $0x2320;
	v0 =	vsel vm7, $0x180, v0  }
0xb: {  	v1 =	vsel vm7, $0x1180, v1;
	v2 =	vsel vm7, $0x2180, v2;
	v3 =	vsel vm7, $0x3180, v3  }
0xc: {  	vm7 =	vcmask $0x2724;
	v0 =	vsel vm8, $0x200, v0;
	v1 =	vsel vm8, $0x1200, v1  }
0xd: {  	v2 =	vsel vm8, $0x2200, v2;
	v3 =	vsel vm8, $0x3200, v3;
	vm8 =	vcmask $0x2B28  }
0xe: {  	v0 =	vsel vm4, $0x280, v0;
	v1 =	vsel vm4, $0x1280, v1;
	v2 =	vsel vm4, $0x2280, v2  }
0xf: {  	v3 =	vsel vm4, $0x3280, v3;
	vm4 =	vcmask $0xF14;
	v0 =	vsel vm5, $0x300, v0  }
0x10: {  	v1 =	vsel vm5, $0x1300, v1;
	v2 =	vsel vm5, $0x2300, v2;
	v3 =	vsel vm5, $0x3300, v3  }
0x11: {  	vm5 =	vcmask $0x1318;
	v0 =	vsel vm9, $0x380, v0;
	v1 =	vsel vm9, $0x1380, v1  }
0x12: {  	v2 =	vsel vm9, $0x2380, v2;
	v3 =	vsel vm9, $0x3380, v3;
	vm9 =	vcmask $0x2F2C  }
0x13: {  	v0 =	vsel vm6, $0x800, v0;
	v1 =	vsel vm6, $0x1800, v1;
	v2 =	vsel vm6, $0x2800, v2  }
0x14: {  	v3 =	vsel vm6, $0x3800, v3;
	vm6 =	vcmask $0x171C;
	v0 =	vsel vm7, $0x880, v0  }
0x15: {  	s0 =	rddreg [dreg:$0x0];
	v1 =	vsel vm7, $0x1880, v1;
	v2 =	vsel vm7, $0x2880, v2;
	v3 =	vsel vm7, $0x3880, v3  }
0x16: {  	s1 =	rddreg [dreg:$0x1];
	vm7 =	vcmask $0x1B20;
	v0 =	vsel vm8, $0x900, v0;
	v1 =	vsel vm8, $0x1900, v1  }
0x17: {  	s3 =	rddreg [dreg:$0x2];
	v2 =	vsel vm8, $0x2900, v2;
	v3 =	vsel vm8, $0x3900, v3;
	vm8 =	vcmask $0x3330  }
0x18: {  	s2 =	simm.s32 $0x0;
	s4 =	srdreg.scid;
	s28 =	stileid.u32;
	v0 =	vsel vm9, $0x980, v0;
	v1 =	vsel vm9, $0x1980, v1;
	v2 =	vsel vm9, $0x2980, v2  }
0x19: {  	[smem:$0x7FF] =	sst s2;
	s4 =	sand.u32 $0x1, s4;
	s6 =	sshll.u32 s28, $0xA;
	v3 =	vsel vm9, $0x3980, v3;
	v4 =	vsel vm8, $0xA00, v0;
	v1 =	vsel vm8, $0x1A00, v1  }
0x1a: {  	s5 =	ssub.s32 $0x2, s4;
	s4 =	sshll.u32 s4, $0x9;
	s3 =	sadd.s32 s6, s3;
	v2 =	vsel vm8, $0x2A00, v2;
	v3 =	vsel vm8, $0x3A00, v3;
	vm8 =	vcmask $0x3734  }
0x1b: {  	_ =	strace $0x80000047;
	s8 =	sor.u32 s4, s6;
	s3 =	sadd.s32 s4, s3;
	v0 =	vlaneseq.u32;
	v4 =	vsel vm8, $0xA80, v4;
	v5 =	vsel vm8, $0x1A80, v1  }
0x1c: {  	s7 =	sshrl.u32 s5, $0x1;
	s29 =	sshrl.u32 s8, $0x3;
	s31 =	sadd.s32 $0xFFFFFF81, s3;
	v6 =	vsel vm8, $0x2A80, v2;
	v7 =	vsel vm8, $0x3A80, v3;
	vm8 =	vcmask $0x3B38  }
0x1d: {  	s5 =	ssub.s32 s5, s7;
	s1 =	sadd.s32 s1, s29;
	[dreg:$0x4] =	wrdreg s31;
	v1 =	vmul.u32 $0x80, v0;
	v2 =	vsel vm8, $0xB00, v4;
	v3 =	vsel vm8, $0x1B00, v5  }
0x1e: {  	s9 =	simm.s32 $0x200;
	s30 =	smax.u32 s5, $0x1;
	[dreg:$0x5] =	wrdreg s1;
	v4 =	vsel vm8, $0x2B00, v6;
	v5 =	vsel vm8, $0x3B00, v7;
	vm8 =	vcmask $0x1F24  }
0x1f: {  	s18 =	simm.s32 $0x14200;
	s19 =	simm.s32 $0x0;
	[dreg:$0x6] =	wrdreg s30;
	v6 =	vor.u32 $0x800, v1;
	v7 =	vor.u32 $0x1000, v1;
	v8 =	vor.u32 $0x1800, v1  }
.LBB2_1:
0x20: {  	s2 =	simm.s32 $0x0;
	s1 =	rddreg [dreg:$0x5];
	s22 =	simm.s32 $0xB  }
0x21: {  	[tilespmem:s2], [sflag:$0xB] =	stream.linear.gather [hbm4b:s1+s2], $0x200, $0x38;
	[tilespmem:$0x18200] =	vst v63  }
0x22: {  	_ =	swait.ge [sflag:s22], $0x200  }
0x23: {  	[sflag:s22] =	ssyncset.done $0x0  }
0x24: {  	[sflag:s22] =	ssyncadd.s32 $0xFFFFFE00  }
0x25: {  	v9 =	vld [tilespmem:$0x0];
	_ =	sdelay $0x4  }
0x26: {  	v9 =	vnsel vm0, $0x0, v9  }
0x27: {  	(xrf0) =	vadd.scan.msk.s32 $0xffff, v9;
	_ =	sdelay $0x5  }
0x28: {  	v9, _, _ =	vpop (xrf0)  }
0x29: {  	(v2sf) =	vpush v9, $0xF;
	_ =	sdelay $0xe  }
0x2a: {  	s23 =	spop (v2sf)  }
0x2b: {  	s1 =	sand.u32 $0xFFFFF80, s23  }
0x2c: {  	s3 =	simm.s32 $0x7A1400;
	s4 =	simm.s32 $0x400;
	s1 =	sadd.s32 s0, s1  }
0x2d: {  	[tilespmem:s9], [sflag:$0x1] =	stream.strided.gather [hbm4b:s1+s4], $0x2000, s3, s4, $0x38;
	[tilespmem:$0x18200] =	vst v63  }
0x2e: {  	v9 =	vld [tilespmem:$0x0];
	_ =	sdelay $0x4  }
0x2f: {  	v9 =	vsel vm1, $0x0, v9  }
0x30: {  	(xrf0) =	vadd.scan.msk.s32 $0xffff, v9;
	_ =	sdelay $0x5  }
0x31: {  	v9, _, _ =	vpop (xrf0)  }
0x32: {  	(v2sf) =	vpush v9, $0xF;
	_ =	sdelay $0xe  }
0x33: {  	s24 =	spop (v2sf)  }
0x34: {  	s1 =	sand.u32 $0xFFFFF80, s24  }
0x35: {  	s5 =	simm.s32 $0x2200;
	s1 =	sadd.s32 s0, s1  }
0x36: {  	[tilespmem:s5], [sflag:$0x2] =	stream.strided.gather [hbm4b:s1+s4], $0x2000, s3, s4, $0x38;
	[tilespmem:$0x18200] =	vst v63  }
0x37: {  	v9 =	vld [tilespmem:$0x0];
	_ =	sdelay $0x4  }
0x38: {  	v9 =	vsel vm2, $0x0, v9  }
0x39: {  	(xrf0) =	vadd.scan.msk.s32 $0xffff, v9;
	_ =	sdelay $0x5  }
0x3a: {  	v9, _, _ =	vpop (xrf0)  }
0x3b: {  	(v2sf) =	vpush v9, $0xF;
	_ =	sdelay $0xe  }
0x3c: {  	s25 =	spop (v2sf)  }
0x3d: {  	s1 =	sand.u32 $0xFFFFF80, s25  }
0x3e: {  	s26 =	simm.s32 $0x4200;
	s1 =	sadd.s32 s0, s1  }
0x3f: {  	[tilespmem:s26], [sflag:$0x3] =	stream.strided.gather [hbm4b:s1+s4], $0x2000, s3, s4, $0x38;
	[tilespmem:$0x18200] =	vst v63  }
0x40: {  	v9 =	vld [tilespmem:$0x0];
	_ =	sdelay $0x4  }
0x41: {  	v9 =	vsel vm3, $0x0, v9  }
0x42: {  	(xrf0) =	vadd.scan.msk.s32 $0xffff, v9;
	_ =	sdelay $0x5  }
0x43: {  	v9, _, _ =	vpop (xrf0)  }
0x44: {  	(v2sf) =	vpush v9, $0xF;
	_ =	sdelay $0xe  }
0x45: {  	s5 =	spop (v2sf)  }
0x46: {  	s1 =	sand.u32 $0xFFFFF80, s5  }
0x47: {  	s6 =	simm.s32 $0x6200;
	s1 =	sadd.s32 s0, s1  }
0x48: {  	[tilespmem:s6], [sflag:$0x4] =	stream.strided.gather [hbm4b:s1+s4], $0x2000, s3, s4, $0x38;
	[tilespmem:$0x18200] =	vst v63  }
0x49: {  	v9 =	vld [tilespmem:$0x0];
	_ =	sdelay $0x4  }
0x4a: {  	v9 =	vsel vm4, $0x0, v9  }
0x4b: {  	(xrf0) =	vadd.scan.msk.s32 $0xffff, v9;
	_ =	sdelay $0x5  }
0x4c: {  	v9, _, _ =	vpop (xrf0)  }
0x4d: {  	(v2sf) =	vpush v9, $0xF;
	_ =	sdelay $0xe  }
0x4e: {  	s7 =	spop (v2sf)  }
0x4f: {  	s1 =	sand.u32 $0xFFFFF80, s7  }
0x50: {  	s8 =	simm.s32 $0x8200;
	s1 =	sadd.s32 s0, s1  }
0x51: {  	[tilespmem:s8], [sflag:$0x5] =	stream.strided.gather [hbm4b:s1+s4], $0x2000, s3, s4, $0x38;
	[tilespmem:$0x18200] =	vst v63  }
0x52: {  	v9 =	vld [tilespmem:$0x0];
	_ =	sdelay $0x4  }
0x53: {  	v9 =	vsel vm5, $0x0, v9  }
0x54: {  	(xrf0) =	vadd.scan.msk.s32 $0xffff, v9;
	_ =	sdelay $0x5  }
0x55: {  	v9, _, _ =	vpop (xrf0)  }
0x56: {  	(v2sf) =	vpush v9, $0xF;
	_ =	sdelay $0xe  }
0x57: {  	s10 =	spop (v2sf)  }
0x58: {  	s1 =	sand.u32 $0xFFFFF80, s10  }
0x59: {  	s11 =	simm.s32 $0xA200;
	s1 =	sadd.s32 s0, s1  }
0x5a: {  	[tilespmem:s11], [sflag:$0x6] =	stream.strided.gather [hbm4b:s1+s4], $0x2000, s3, s4, $0x38;
	[tilespmem:$0x18200] =	vst v63  }
0x5b: {  	v9 =	vld [tilespmem:$0x0];
	_ =	sdelay $0x4  }
0x5c: {  	v9 =	vsel vm6, $0x0, v9  }
0x5d: {  	(xrf0) =	vadd.scan.msk.s32 $0xffff, v9;
	_ =	sdelay $0x5  }
0x5e: {  	v9, _, _ =	vpop (xrf0)  }
0x5f: {  	(v2sf) =	vpush v9, $0xF;
	_ =	sdelay $0xe  }
0x60: {  	s12 =	spop (v2sf)  }
0x61: {  	s1 =	sand.u32 $0xFFFFF80, s12  }
0x62: {  	s13 =	simm.s32 $0xC200;
	s1 =	sadd.s32 s0, s1  }
0x63: {  	[tilespmem:s13], [sflag:$0x7] =	stream.strided.gather [hbm4b:s1+s4], $0x2000, s3, s4, $0x38;
	[tilespmem:$0x18200] =	vst v63  }
0x64: {  	v9 =	vld [tilespmem:$0x0];
	_ =	sdelay $0x4  }
0x65: {  	v9 =	vsel vm7, $0x0, v9  }
0x66: {  	(xrf0) =	vadd.scan.msk.s32 $0xffff, v9;
	_ =	sdelay $0x5  }
0x67: {  	v9, _, _ =	vpop (xrf0)  }
0x68: {  	(v2sf) =	vpush v9, $0xF;
	_ =	sdelay $0xe  }
0x69: {  	s14 =	spop (v2sf)  }
0x6a: {  	s1 =	sand.u32 $0xFFFFF80, s14  }
0x6b: {  	s15 =	simm.s32 $0xE200;
	s1 =	sadd.s32 s0, s1  }
0x6c: {  	[tilespmem:s15], [sflag:$0x8] =	stream.strided.gather [hbm4b:s1+s4], $0x2000, s3, s4, $0x38;
	[tilespmem:$0x18200] =	vst v63  }
0x6d: {  	v9 =	vld [tilespmem:$0x0];
	_ =	sdelay $0x4  }
0x6e: {  	v9 =	vsel vm8, $0x0, v9  }
0x6f: {  	(xrf0) =	vadd.scan.msk.s32 $0xffff, v9;
	_ =	sdelay $0x5  }
0x70: {  	v9, _, _ =	vpop (xrf0)  }
0x71: {  	(v2sf) =	vpush v9, $0xF;
	_ =	sdelay $0xe  }
0x72: {  	s16 =	spop (v2sf)  }
0x73: {  	s1 =	sand.u32 $0xFFFFF80, s16  }
0x74: {  	s17 =	simm.s32 $0x10200;
	p0 =	por $0x0, $0x0;
	s1 =	sadd.s32 s0, s1  }
0x75: {  	[tilespmem:s17], [sflag:$0x9] =	stream.strided.gather [hbm4b:s1+s4], $0x2000, s3, s4, $0x38;
	[tilespmem:$0x18200] =	vst v63  }
0x76: {  	s1 =	simm.s32 @!p0 $0x9  }
0x77: {  	s3 =	sand.u32 @!p0 $0x3F0, s1  }
0x78: {  	v9 =	vld @!p0 [tilespmem:s3+$0x0];
	_ =	sdelay $0x1  }
0x79: {  	s3 =	sand.u32 @!p0 $0xF, s1  }
0x7a: {  	v11 =	vlaneseq.u32 @!p0;
	v10 =	vmov @!p0 s3  }
0x7b: {  	vm9 =	veq.s32 @!p0 v10, v11  }
0x7c: {  	v9 =	vnsel @!p0 vm9, $0x0, v9  }
0x7d: {  	(xrf0) =	vadd.scan.msk.s32 @!p0 $0xffff, v9;
	_ =	sdelay $0x5  }
0x7e: {  	v9, _, _ =	vpop @!p0 (xrf0)  }
0x7f: {  	(v2sf) =	vpush @!p0 v9, $0xF;
	_ =	sdelay $0x7  }
0x80: {  	s20 =	smul.u32 $0xCCCD, s2  }
0x81: {  	s1 =	smul.u32 @!p0 $0xCCCD, s1  }
0x82: {  	s3 =	sshrl.u32 s20, $0x13  }
0x83: {  	s1 =	sshrl.u32 @!p0 s1, $0x13;
	s3 =	smul.u32 $0xA, s3  }
0x84: {  	s1 =	smul.u32 @!p0 $0xA, s1  }
0x85: {  	s12 =	simm.s32 @!p0 $0x400  }
0x86: {  	s13 =	simm.s32 @!p0 $0x7A1400;
	s3 =	ssub.s32 $0x0, s3;
	s1 =	ssub.s32 @!p0 $0x9, s1  }
0x87: {  	s3 =	sand.u32 $0xFFFF, s3;
	s1 =	sand.u32 @!p0 $0xFFFF, s1;
	s11 =	spop @!p0 (v2sf)  }
0x88: {  	s14 =	sadd.s32 $0x1, s3;
	s10 =	sshll.u32 @!p0 s1, $0xD;
	s11 =	sand.u32 @!p0 $0xFFFFF80, s11  }
0x89: {  	s1 =	sadd.s32 @!p0 $0x1, s1;
	s10 =	sor.u32 @!p0 $0x200, s10;
	s11 =	sadd.s32 @!p0 s0, s11  }
0x8a: {  	[tilespmem:s10], [sflag:s1] =	stream.strided.gather @!p0 [hbm4b:s11+s12], $0x2000, s13, s12, $0x38;
	[tilespmem:$0x18200] =	vst v63  }
0x8b: {  	_ =	swait.ge [sflag:s14], $0x2000  }
0x8c: {  	[sflag:s14] =	ssyncset.done $0x0  }
0x8d: {  	s21 =	sand.u32 $0x1F0, s2;
	[sflag:s14] =	ssyncadd.s32 $0xFFFFE000  }
0x8e: {  	v9 =	vld [tilespmem:s21+$0x0];
	_ =	sdelay $0x1  }
0x8f: {  	s22 =	sand.u32 $0xF, s2  }
0x90: {  	v10 =	vmov s22  }
0x91: {  	vm9 =	veq.s32 v10, v0  }
0x92: {  	v9 =	vnsel vm9, $0x0, v9  }
0x93: {  	(xrf0) =	vadd.scan.msk.s32 $0xffff, v9;
	_ =	sdelay $0x5  }
0x94: {  	v9, _, _ =	vpop (xrf0)  }
0x95: {  	(v2sf) =	vpush v9, $0xF;
	_ =	sdelay $0xe  }
0x96: {  	s23 =	spop (v2sf)  }
0x97: {  	s3 =	sshll.u32 s3, $0xD;
	s1 =	sand.u32 $0x7F, s23  }
0x98: {  	s1 =	sor.u32 s3, s1  }
0x99: {  	s24 =	sand.u32 $0xFF, s2;
	v9 =	vor.u32 s1, v1  }
0x9a: {  	v10 =	vmov s24  }
0x9b: {  	v11 =	vshll.u32 v10, $0x3  }
0x9c: {  	v10 =	vand.u32 $0x7F, v10;
	v11 =	vand.u32 $0x400, v11  }
0x9d: {  	v10 =	vor.u32 v10, v11  }
0x9e: {  	v11 =	vor.u32 v2, v10;
	v9 =	vld.idx.msk [tilespmem:v9+s9+$0x0], $0xffff  }
0x9f: {  	v12 =	vor.u32 s1, v6;
	_ =	sdelay $0x3  }
0xa0: {  	[tilespmem:v11+s18+$0x0] =	vst.idx.msk $0xffff, v9  }
0xa1: {  	v11 =	vor.u32 v3, v10;
	v9 =	vld.idx.msk [tilespmem:v12+s9+$0x0], $0xffff  }
0xa2: {  	v62 =	vor.u32 s1, v7;
	_ =	sdelay $0x3  }
0xa3: {  	[tilespmem:v11+s18+$0x0] =	vst.idx.msk $0xffff, v9  }
0xa4: {  	v11 =	vor.u32 v4, v10;
	v9 =	vld.idx.msk [tilespmem:v62+s9+$0x0], $0xffff  }
0xa5: {  	v63 =	vor.u32 s1, v8;
	_ =	sdelay $0x3  }
0xa6: {  	[tilespmem:v11+s18+$0x0] =	vst.idx.msk $0xffff, v9  }
0xa7: {  	v10 =	vor.u32 v5, v10;
	v9 =	vld.idx.msk [tilespmem:v63+s9+$0x0], $0xffff  }
0xa8: {  	s30 =	simm.s32 $0x2;
	s25 =	sand.u32 $0x7F, s2;
	s20 =	simm.s32 $0x1  }
0xa9: {  	p3 =	por $0x0, $0x0;
	s26 =	sand.u32 $0x7F, s20;
	p0 =	sne.s32 s25, $0x7F  }
0xaa: {  	s31 =	simm.s32 $0x10;
	p2 =	sne.s32 s26, $0x7F;
	p1 =	por p0, p0  }
0xab: {  	p1 =	por p1, p1;
	s3 =	rddreg [dreg:$0x4];
	s1 =	sand.u32 @!p0 $0x400, s2  }
0xac: {  	s13 =	simm.s32 @!p1 $0x0;
	s3 =	sadd.s32 @!p1 $0x0, s3;
	s10 =	sor.u32 @!p0 $0x14200, s1;
	[tilespmem:v10+s18+$0x0] =	vst.idx.msk $0xffff, v9  }
0xad: {  	[hbm4b:s3+s13] =	stream.linear.scatter @!p1 [tilespmem:s10], [sflag:$0xB], $0x400, $0x38;
	[tilespmem:$0x18200] =	vst v63  }
0xae: {  	s11 =	sor.u32 @!p0 $0x14A00, s1;
	s12 =	sor.u32 @!p0 $0x15200, s1;
	s15 =	sadd.s32 @!p1 $0x4000, s3  }
0xaf: {  	[hbm4b:s15+s13] =	stream.linear.scatter @!p1 [tilespmem:s11], [sflag:$0xB], $0x400, $0x38;
	[tilespmem:$0x18200] =	vst v63  }
0xb0: {  	s14 =	sor.u32 @!p0 $0x16200, s1;
	s16 =	sadd.s32 @!p1 $0x8000, s3;
	s10 =	sor.u32 @!p0 $0x15A00, s1  }
0xb1: {  	[hbm4b:s16+s13] =	stream.linear.scatter @!p1 [tilespmem:s12], [sflag:$0xB], $0x400, $0x38;
	[tilespmem:$0x18200] =	vst v63  }
0xb2: {  	s11 =	sor.u32 @!p0 $0x16A00, s1;
	s15 =	sadd.s32 @!p1 $0xC000, s3;
	s12 =	simm.s32 $0x8  }
0xb3: {  	[hbm4b:s15+s13] =	stream.linear.scatter @!p1 [tilespmem:s10], [sflag:$0xB], $0x400, $0x38;
	[tilespmem:$0x18200] =	vst v63  }
0xb4: {  	s12 =	sand.u32 @!p2 $0x400, s12;
	s10 =	sor.u32 @!p0 $0x17200, s1;
	s15 =	sadd.s32 @!p1 $0x10000, s3  }
0xb5: {  	s1 =	sor.u32 @!p0 $0x17A00, s1;
	s28 =	sor.u32 @!p2 $0x14200, s12;
	s25 =	sor.u32 @!p2 $0x14A00, s12  }
0xb6: {  	[hbm4b:s15+s13] =	stream.linear.scatter @!p1 [tilespmem:s14], [sflag:$0xB], $0x400, $0x38;
	[tilespmem:$0x18200] =	vst v63  }
0xb7: {  	s26 =	sor.u32 @!p2 $0x15200, s12;
	s23 =	sor.u32 @!p2 $0x15A00, s12;
	s14 =	sadd.s32 @!p1 $0x14000, s3  }
0xb8: {  	[hbm4b:s14+s13] =	stream.linear.scatter @!p1 [tilespmem:s11], [sflag:$0xB], $0x400, $0x38;
	[tilespmem:$0x18200] =	vst v63  }
0xb9: {  	s24 =	sor.u32 @!p2 $0x16200, s12;
	s21 =	sor.u32 @!p2 $0x16A00, s12;
	s11 =	sadd.s32 @!p1 $0x18000, s3  }
0xba: {  	[hbm4b:s11+s13] =	stream.linear.scatter @!p1 [tilespmem:s10], [sflag:$0xB], $0x400, $0x38;
	[tilespmem:$0x18200] =	vst v63  }
0xbb: {  	s22 =	sor.u32 @!p2 $0x17200, s12;
	s3 =	sadd.s32 @!p1 $0x1C000, s3;
	s10 =	simm.s32 @!p1 $0xB  }
0xbc: {  	[hbm4b:s3+s13] =	stream.linear.scatter @!p1 [tilespmem:s1], [sflag:$0xB], $0x400, $0x38;
	[tilespmem:$0x18200] =	vst v63  }
0xbd: {  	s29 =	sor.u32 @!p2 $0x17A00, s12;
	p0 =	por p2, p2;
	_ =	swait.ge @!p1 [sflag:s10], $0x2000  }
.LBB2_2:
0xbe: {  	s3 =	sand.u32 $0x7F, s30;
	s17 =	sadd.s32 @!p3 $0x9, s20  }
0xbf: {  	[sflag:s10] =	ssyncset.done @!p1 $0x0;
	p4 =	sne.s32 s3, $0x7F;
	s3 =	sand.u32 @!p3 $0xF, s17  }
0xc0: {  	v10 =	vlaneseq.u32 @!p3;
	s13 =	sand.u32 @!p3 $0x3F0, s17;
	[sflag:s10] =	ssyncadd.s32 @!p1 $0xFFFFE000;
	v9 =	vmov @!p3 s3  }
0xc1: {  	vm9 =	veq.s32 @!p3 v9, v10;
	v9 =	vld @!p3 [tilespmem:s13+$0x0];
	_ =	sdelay $0x4  }
0xc2: {  	v9 =	vnsel @!p3 vm9, $0x0, v9  }
0xc3: {  	(xrf0) =	vadd.scan.msk.s32 @!p3 $0xffff, v9;
	_ =	sdelay $0x5  }
0xc4: {  	v9, _, _ =	vpop @!p3 (xrf0)  }
0xc5: {  	(v2sf) =	vpush @!p3 v9, $0xF;
	_ =	sdelay $0x7  }
0xc6: {  	s5 =	smul.u32 $0xCCCD, s20  }
0xc7: {  	s3 =	smul.u32 @!p3 $0xCCCD, s17  }
0xc8: {  	s5 =	sshrl.u32 s5, $0x13  }
0xc9: {  	s5 =	smul.u32 $0xA, s5;
	s3 =	sshrl.u32 @!p3 s3, $0x13  }
0xca: {  	s4 =	smul.u32 @!p3 $0xA, s3  }
0xcb: {  	s2 =	simm.s32 @!p3 $0x400  }
0xcc: {  	s7 =	simm.s32 @!p3 $0x7A1400;
	s5 =	ssub.s32 s20, s5;
	s4 =	ssub.s32 @!p3 s17, s4  }
0xcd: {  	s5 =	sand.u32 $0xFFFF, s5;
	s4 =	sand.u32 @!p3 $0xFFFF, s4;
	s6 =	spop @!p3 (v2sf)  }
0xce: {  	s8 =	sadd.s32 $0x1, s5;
	s17 =	sshll.u32 @!p3 s4, $0xD;
	s6 =	sand.u32 @!p3 $0xFFFFF80, s6  }
0xcf: {  	s4 =	sadd.s32 @!p3 $0x1, s4;
	s17 =	sor.u32 @!p3 $0x200, s17;
	s6 =	sadd.s32 @!p3 s0, s6  }
0xd0: {  	[tilespmem:s17], [sflag:s4] =	stream.strided.gather @!p3 [hbm4b:s6+s2], $0x2000, s7, s2, $0x38;
	[tilespmem:$0x18200] =	vst v63  }
0xd1: {  	_ =	swait.ge [sflag:s8], $0x2000  }
0xd2: {  	[sflag:s8] =	ssyncset.done $0x0  }
0xd3: {  	s4 =	sand.u32 $0x1F0, s20;
	[sflag:s8] =	ssyncadd.s32 $0xFFFFE000  }
0xd4: {  	v9 =	vld [tilespmem:s4+$0x0];
	_ =	sdelay $0x1  }
0xd5: {  	s6 =	sand.u32 $0xF, s20  }
0xd6: {  	v10 =	vmov s6  }
0xd7: {  	vm9 =	veq.s32 v10, v0  }
0xd8: {  	v9 =	vnsel vm9, $0x0, v9  }
0xd9: {  	(xrf0) =	vadd.scan.msk.s32 $0xffff, v9;
	_ =	sdelay $0x5  }
0xda: {  	v9, _, _ =	vpop (xrf0)  }
0xdb: {  	(v2sf) =	vpush v9, $0xF;
	_ =	sdelay $0xe  }
0xdc: {  	s8 =	spop (v2sf)  }
0xdd: {  	s7 =	sshll.u32 s5, $0xD;
	s4 =	sand.u32 $0x7F, s8  }
0xde: {  	s2 =	sor.u32 s7, s4  }
0xdf: {  	s17 =	sand.u32 $0xFF, s20;
	v9 =	vor.u32 s2, v1  }
0xe0: {  	v10 =	vmov s17  }
0xe1: {  	v11 =	vshll.u32 v10, $0x3  }
0xe2: {  	v10 =	vand.u32 $0x7F, v10;
	v11 =	vand.u32 $0x400, v11  }
0xe3: {  	v10 =	vor.u32 v10, v11  }
0xe4: {  	v11 =	vor.u32 v2, v10;
	v9 =	vld.idx.msk [tilespmem:v9+s9+$0x0], $0xffff  }
0xe5: {  	v12 =	vor.u32 s2, v6;
	_ =	sdelay $0x3  }
0xe6: {  	[tilespmem:v11+s18+$0x0] =	vst.idx.msk $0xffff, v9  }
0xe7: {  	v11 =	vor.u32 v3, v10;
	v9 =	vld.idx.msk [tilespmem:v12+s9+$0x0], $0xffff  }
0xe8: {  	v62 =	vor.u32 s2, v7;
	_ =	sdelay $0x3  }
0xe9: {  	[tilespmem:v11+s18+$0x0] =	vst.idx.msk $0xffff, v9  }
0xea: {  	v11 =	vor.u32 v4, v10;
	v9 =	vld.idx.msk [tilespmem:v62+s9+$0x0], $0xffff  }
0xeb: {  	v63 =	vor.u32 s2, v8;
	_ =	sdelay $0x3  }
0xec: {  	[tilespmem:v11+s18+$0x0] =	vst.idx.msk $0xffff, v9  }
0xed: {  	v10 =	vor.u32 v5, v10;
	v9 =	vld.idx.msk [tilespmem:v63+s9+$0x0], $0xffff  }
0xee: {  	s16 =	smov.u32 s30;
	s30 =	sadd.s32 $0x1, s30  }
0xef: {  	s1 =	smov.u32 s29;
	p2 =	sne.s32 s30, $0x200;
	p1 =	por p0, p0  }
0xf0: {  	s29 =	sand.u32 @!p4 $0x400, s31;
	p0 =	por p4, p4;
	s31 =	sadd.s32 $0x8, s31  }
0xf1: {  	s11 =	sor.u32 @!p4 $0x14200, s29;
	s12 =	sor.u32 @!p4 $0x14A00, s29;
	s2 =	rddreg [dreg:$0x4]  }
0xf2: {  	s14 =	sor.u32 @!p4 $0x15200, s29;
	s4 =	simm.s32 @!p1 $0x0;
	s2 =	sadd.s32 @!p1 s20, s2;
	[tilespmem:v10+s18+$0x0] =	vst.idx.msk $0xffff, v9  }
0xf3: {  	[hbm4b:s2+s4] =	stream.linear.scatter @!p1 [tilespmem:s28], [sflag:$0xB], $0x400, $0x38;
	[tilespmem:$0x18200] =	vst v63  }
0xf4: {  	s15 =	sor.u32 @!p4 $0x15A00, s29;
	s13 =	sor.u32 @!p4 $0x16200, s29;
	s5 =	sadd.s32 @!p1 $0x4000, s2  }
0xf5: {  	[hbm4b:s5+s4] =	stream.linear.scatter @!p1 [tilespmem:s25], [sflag:$0xB], $0x400, $0x38;
	[tilespmem:$0x18200] =	vst v63  }
0xf6: {  	s10 =	sor.u32 @!p4 $0x16A00, s29;
	s3 =	sor.u32 @!p4 $0x17200, s29;
	s6 =	sadd.s32 @!p1 $0x8000, s2  }
0xf7: {  	[hbm4b:s6+s4] =	stream.linear.scatter @!p1 [tilespmem:s26], [sflag:$0xB], $0x400, $0x38;
	[tilespmem:$0x18200] =	vst v63  }
0xf8: {  	s29 =	sor.u32 @!p4 $0x17A00, s29;
	s20 =	smov.u32 s16;
	s7 =	sadd.s32 @!p1 $0xC000, s2  }
0xf9: {  	[hbm4b:s7+s4] =	stream.linear.scatter @!p1 [tilespmem:s23], [sflag:$0xB], $0x400, $0x38;
	[tilespmem:$0x18200] =	vst v63  }
0xfa: {  	s8 =	sadd.s32 @!p1 $0x14000, s2;
	s16 =	sadd.s32 @!p1 $0x18000, s2;
	s5 =	sadd.s32 @!p1 $0x10000, s2  }
0xfb: {  	[hbm4b:s5+s4] =	stream.linear.scatter @!p1 [tilespmem:s24], [sflag:$0xB], $0x400, $0x38;
	[tilespmem:$0x18200] =	vst v63  }
0xfc: {  	p3 =	sgt.u32 s20, $0x1F6;
	s28 =	smov.u32 s11;
	s2 =	sadd.s32 @!p1 $0x1C000, s2  }
0xfd: {  	[hbm4b:s8+s4] =	stream.linear.scatter @!p1 [tilespmem:s21], [sflag:$0xB], $0x400, $0x38;
	[tilespmem:$0x18200] =	vst v63  }
.Ltmp0:
0xfe: {  	s25 =	smov.u32 s12;
	s26 =	smov.u32 s14;
	(pc) =	sbr.rel @p2 .LBB2_2-.Ltmp0, $4  }
0xff: {  	[hbm4b:s16+s4] =	stream.linear.scatter @!p1 [tilespmem:s22], [sflag:$0xB], $0x400, $0x38;
	[tilespmem:$0x18200] =	vst v63  }
0x100: {  	s23 =	smov.u32 s15;
	s21 =	smov.u32 s10;
	s10 =	simm.s32 @!p1 $0xB  }
0x101: {  	[hbm4b:s2+s4] =	stream.linear.scatter @!p1 [tilespmem:s1], [sflag:$0xB], $0x400, $0x38;
	[tilespmem:$0x18200] =	vst v63  }
0x102: {  	s24 =	smov.u32 s13;
	s22 =	smov.u32 s3;
	_ =	swait.ge @!p1 [sflag:s10], $0x2000  }
0x103: {  	s1 =	sadd.s32 @!p3 $0x9, s20;
	[sflag:s10] =	ssyncset.done @!p1 $0x0  }
0x104: {  	s2 =	sand.u32 @!p3 $0x3F0, s1;
	[sflag:s10] =	ssyncadd.s32 @!p1 $0xFFFFE000  }
0x105: {  	v9 =	vld @!p3 [tilespmem:s2+$0x0];
	_ =	sdelay $0x1  }
0x106: {  	s2 =	sand.u32 @!p3 $0xF, s1  }
0x107: {  	v11 =	vlaneseq.u32 @!p3;
	v10 =	vmov @!p3 s2  }
0x108: {  	vm9 =	veq.s32 @!p3 v10, v11  }
0x109: {  	v9 =	vnsel @!p3 vm9, $0x0, v9  }
0x10a: {  	(xrf0) =	vadd.scan.msk.s32 @!p3 $0xffff, v9;
	_ =	sdelay $0x5  }
0x10b: {  	v9, _, _ =	vpop @!p3 (xrf0)  }
0x10c: {  	(v2sf) =	vpush @!p3 v9, $0xF;
	_ =	sdelay $0x7  }
0x10d: {  	s2 =	smul.u32 @!p3 $0xCCCD, s1;
	_ =	sdelay $0x1  }
0x10e: {  	s3 =	smul.u32 $0xCCCD, s20;
	s2 =	sshrl.u32 @!p3 s2, $0x13  }
0x10f: {  	s2 =	smul.u32 @!p3 $0xA, s2  }
0x110: {  	s14 =	sshrl.u32 s3, $0x13  }
0x111: {  	s1 =	ssub.s32 @!p3 s1, s2;
	s2 =	smul.u32 $0xA, s14  }
0x112: {  	s5 =	simm.s32 @!p3 $0x400;
	s6 =	simm.s32 @!p3 $0x7A1400;
	s1 =	sand.u32 @!p3 $0xFFFF, s1  }
0x113: {  	s3 =	sshll.u32 @!p3 s1, $0xD;
	s2 =	ssub.s32 s20, s2;
	s4 =	spop @!p3 (v2sf)  }
0x114: {  	s1 =	sadd.s32 @!p3 $0x1, s1;
	s2 =	sand.u32 $0xFFFF, s2;
	s4 =	sand.u32 @!p3 $0xFFFFF80, s4  }
0x115: {  	s3 =	sor.u32 @!p3 $0x200, s3;
	s7 =	sadd.s32 $0x1, s2;
	s4 =	sadd.s32 @!p3 s0, s4  }
0x116: {  	[tilespmem:s3], [sflag:s1] =	stream.strided.gather @!p3 [hbm4b:s4+s5], $0x2000, s6, s5, $0x38;
	[tilespmem:$0x18200] =	vst v63  }
0x117: {  	_ =	swait.ge [sflag:s7], $0x2000  }
0x118: {  	[sflag:s7] =	ssyncset.done $0x0  }
0x119: {  	s15 =	sand.u32 $0x1F0, s20;
	[sflag:s7] =	ssyncadd.s32 $0xFFFFE000  }
0x11a: {  	v9 =	vld [tilespmem:s15+$0x0];
	_ =	sdelay $0x1  }
0x11b: {  	s16 =	sand.u32 $0xF, s20  }
0x11c: {  	v10 =	vmov s16  }
0x11d: {  	vm9 =	veq.s32 v10, v0  }
0x11e: {  	v9 =	vnsel vm9, $0x0, v9  }
0x11f: {  	(xrf0) =	vadd.scan.msk.s32 $0xffff, v9;
	_ =	sdelay $0x5  }
0x120: {  	v9, _, _ =	vpop (xrf0)  }
0x121: {  	(v2sf) =	vpush v9, $0xF;
	_ =	sdelay $0xe  }
0x122: {  	s17 =	spop (v2sf)  }
0x123: {  	s2 =	sshll.u32 s2, $0xD;
	s1 =	sand.u32 $0x7F, s17  }
0x124: {  	s1 =	sor.u32 s2, s1  }
0x125: {  	s30 =	sand.u32 $0xFF, s20;
	v9 =	vor.u32 s1, v1  }
0x126: {  	v10 =	vmov s30  }
0x127: {  	v11 =	vshll.u32 v10, $0x3  }
0x128: {  	v10 =	vand.u32 $0x7F, v10;
	v11 =	vand.u32 $0x400, v11  }
0x129: {  	v10 =	vor.u32 v10, v11  }
0x12a: {  	v11 =	vor.u32 v2, v10;
	v9 =	vld.idx.msk [tilespmem:v9+s9+$0x0], $0xffff  }
0x12b: {  	v12 =	vor.u32 s1, v6;
	_ =	sdelay $0x3  }
0x12c: {  	[tilespmem:v11+s18+$0x0] =	vst.idx.msk $0xffff, v9  }
0x12d: {  	v11 =	vor.u32 v3, v10;
	v9 =	vld.idx.msk [tilespmem:v12+s9+$0x0], $0xffff  }
0x12e: {  	v62 =	vor.u32 s1, v7;
	_ =	sdelay $0x3  }
0x12f: {  	[tilespmem:v11+s18+$0x0] =	vst.idx.msk $0xffff, v9  }
0x130: {  	v11 =	vor.u32 v4, v10;
	v9 =	vld.idx.msk [tilespmem:v62+s9+$0x0], $0xffff  }
0x131: {  	v63 =	vor.u32 s1, v8;
	_ =	sdelay $0x3  }
0x132: {  	[tilespmem:v11+s18+$0x0] =	vst.idx.msk $0xffff, v9  }
0x133: {  	v10 =	vor.u32 v5, v10;
	v9 =	vld.idx.msk [tilespmem:v63+s9+$0x0], $0xffff;
	_ =	sdelay $0x3  }
0x134: {  	p0 =	por p0, p0;
	s1 =	rddreg [dreg:$0x4]  }
0x135: {  	s2 =	simm.s32 @!p0 $0x0;
	s1 =	sadd.s32 @!p0 s20, s1;
	[tilespmem:v10+s18+$0x0] =	vst.idx.msk $0xffff, v9  }
0x136: {  	[hbm4b:s1+s2] =	stream.linear.scatter @!p0 [tilespmem:s28], [sflag:$0xB], $0x400, $0x38;
	[tilespmem:$0x18200] =	vst v63  }
0x137: {  	s3 =	sadd.s32 @!p0 $0x4000, s1  }
0x138: {  	[hbm4b:s3+s2] =	stream.linear.scatter @!p0 [tilespmem:s25], [sflag:$0xB], $0x400, $0x38;
	[tilespmem:$0x18200] =	vst v63  }
0x139: {  	s3 =	sadd.s32 @!p0 $0x8000, s1  }
0x13a: {  	[hbm4b:s3+s2] =	stream.linear.scatter @!p0 [tilespmem:s26], [sflag:$0xB], $0x400, $0x38;
	[tilespmem:$0x18200] =	vst v63  }
0x13b: {  	s3 =	sadd.s32 @!p0 $0xC000, s1  }
0x13c: {  	[hbm4b:s3+s2] =	stream.linear.scatter @!p0 [tilespmem:s23], [sflag:$0xB], $0x400, $0x38;
	[tilespmem:$0x18200] =	vst v63  }
0x13d: {  	s3 =	sadd.s32 @!p0 $0x10000, s1  }
0x13e: {  	[hbm4b:s3+s2] =	stream.linear.scatter @!p0 [tilespmem:s24], [sflag:$0xB], $0x400, $0x38;
	[tilespmem:$0x18200] =	vst v63  }
0x13f: {  	s3 =	sadd.s32 @!p0 $0x14000, s1  }
0x140: {  	[hbm4b:s3+s2] =	stream.linear.scatter @!p0 [tilespmem:s21], [sflag:$0xB], $0x400, $0x38;
	[tilespmem:$0x18200] =	vst v63  }
0x141: {  	s3 =	sadd.s32 @!p0 $0x18000, s1  }
0x142: {  	[hbm4b:s3+s2] =	stream.linear.scatter @!p0 [tilespmem:s22], [sflag:$0xB], $0x400, $0x38;
	[tilespmem:$0x18200] =	vst v63  }
0x143: {  	s1 =	sadd.s32 @!p0 $0x1C000, s1;
	s3 =	simm.s32 @!p0 $0xB  }
0x144: {  	[hbm4b:s1+s2] =	stream.linear.scatter @!p0 [tilespmem:s29], [sflag:$0xB], $0x400, $0x38;
	[tilespmem:$0x18200] =	vst v63  }
0x145: {  	_ =	swait.ge @!p0 [sflag:s3], $0x2000  }
0x146: {  	s19 =	sadd.s32 $0x1, s19;
	s31 =	rddreg [dreg:$0x6]  }
0x147: {  	p1 =	sne.s32 s19, s31  }
.Ltmp1:
0x148: {  	_ = 	snop;
	(pc) =	sbr.rel @p1 .LBB2_1-.Ltmp1, $3  }
0x149: {  	_ =	sdelay $0x1  }
0x14a: {  	[sflag:s3] =	ssyncset.done @!p0 $0x0  }
0x14b: {  	[sflag:s3] =	ssyncadd.s32 @!p0 $0xFFFFE000  }
0x14c: {  	_ =	sfence.sel $0x180000  }
0x14d: {  	[bflag:$0x0] =	sbarrier.arrive $0xFFFF  }
0x14e: {  	_ =	strace $0x90000047  }
0x14f: {  	s0 =	stileid.u32;
	[bflag:$0x2] =	sbarrier.arrive $0xFFFF  }
0x150: {  	p0 =	sne.s32 s0, $0x0;
	s0 =	rddreg [dreg:$0x3]  }
0x151: {  	s0 =	sadd.s32 @!p0 $0x100000, s0  }
0x152: {  	[sflag:s0] =	ssyncadd.tile.s32 @!p0 $0x1;
	_ =	shalt  }
.Lfunc_end2:
_tile_overlayer_lowered:
.L_overlay_start_2:
0x153: {  	(tag) =	ssettag $0x2  }
0x154: {  	s0 =	rddreg [dreg:$0x0];
	s2 =	stileid.u32  }
0x155: {  	s1 =	rddreg [dreg:$0x1];
	p0 =	sne.s32 s2, $0x0  }
0x156: {  	s3 =	rddreg [dreg:$0x2];
	[bflag:$0x3] =	sbarrier.arrive $0xFFFF;
	s2 =	simm.s32 @!p0 $0x1C0B  }
0x157: {  	[timem:s3], [sflag:s2] =	dma.local @!p0 [hbm:s0], s1  }
0x158: {  	s0 =	simm.s32 @!p0 $0xB  }
0x159: {  	_ =	swait.ge @!p0 [sflag:s0], s1  }
0x15a: {  	s1 =	ssub.s32 @!p0 $0x0, s1;
	[sflag:s0] =	ssyncset.done @!p0 $0x0  }
0x15b: {  	[sflag:s0] =	ssyncadd.s32 @!p0 s1  }
0x15c: {  	[bflag:$0x3] =	sbarrier.arrive $0xFFFF  }
0x15d: {  	_ =	shalt  }

</sc_bundles>
